<compile_context>
chip_gen: v7x
topology: tpu7x:2x2x1
jax: 0.10.2.dev20260603
libtpu: 0.0.44.dev20260713+nightly
codegen_flags: <defaults>
</compile_context>

<pallas_src>
import jax
import jax.numpy as jnp
from jax import lax
from jax.experimental import pallas as pl
from jax.experimental.pallas import tpu as pltpu
from jax.experimental.pallas import tpu_sc as plsc

D_MODEL = 768
MAX_REL = 128
VOCAB = 2 * MAX_REL + 1
S = 512

NC = 2
NS = 16
NW = NC * NS
CHUNK = 256
NCHUNK = S // CHUNK

EPAD = S - MAX_REL
EXT_ROWS = 2 * EPAD + VOCAB
EXT8_ROWS = EXT_ROWS + 7
KROWS = 16
WINDOW = CHUNK + 8 * (KROWS - 1)
DHALF = D_MODEL // 3


def _rpe_body(ext8_hbm, out_hbm, buf):
    wid = lax.axis_index("s") * NC + lax.axis_index("c")
    blk = wid // 8
    ph = wid % 8

    def step(t, carry):
        d = t % 3
        c = t // 3
        j0 = c * CHUNK
        i_base = blk * 128 + ph
        off = pl.multiple_of(
            ph * EXT8_ROWS + (EPAD + 8) - blk * 128 + j0, 8)
        pltpu.sync_copy(ext8_hbm.at[pl.ds(off, WINDOW), pl.ds(d * DHALF, DHALF)],
                        buf.at[pl.ds(0, WINDOW)])
        for k in range(KROWS):
            i = i_base + 8 * k
            pltpu.sync_copy(buf.at[pl.ds(8 * (KROWS - 1 - k), CHUNK)],
                            out_hbm.at[pl.ds(i * S + j0, CHUNK),
                                       pl.ds(d * DHALF, DHALF)])
        return carry

    lax.fori_loop(0, 3 * NCHUNK, step, 0)


def kernel(seq_len, table):
    ext = jnp.concatenate([
        jnp.broadcast_to(table[0:1], (EPAD, D_MODEL)),
        table,
        jnp.broadcast_to(table[VOCAB - 1:VOCAB], (EPAD, D_MODEL)),
    ], axis=0)
    ext8 = jnp.concatenate(
        [jnp.pad(ext, ((p, 7 - p), (0, 0))) for p in range(8)], axis=0)

    out = pl.kernel(
        _rpe_body,
        mesh=plsc.VectorSubcoreMesh(core_axis_name="c", subcore_axis_name="s"),
        out_type=jax.ShapeDtypeStruct((S * S, D_MODEL), jnp.float32),
        scratch_types=[
            pltpu.VMEM((WINDOW, DHALF), jnp.float32),
        ],
    )(ext8)
    return out.reshape(S, S, D_MODEL)

# --- scband reference (transcript-rebuilt; emitter-appended) ---
"""Pipeline reference for scband-relative-positional-encoding-61813169324235 (READ-ONLY COPY).

The authoritative reference and input builder live on the scoring server;
editing this copy changes nothing except your own understanding.
"""

import jax, jax.numpy as jnp
import numpy as np

D_MODEL = 768
MAX_REL = 128
VOCAB = 2 * MAX_REL + 1
SEQ_LEN = 512


def setup_inputs(seed: int = 0) -> dict:
    key = jax.random.key(seed)
    table = jax.random.normal(key, (VOCAB, D_MODEL), dtype=jnp.float32) * 0.02
    return {"seq_len": 512, "table": table}


def reference(seq_len, table):
    # range_mat - range_mat.T -> relative distances
    range_vec = jnp.arange(SEQ_LEN) + (seq_len - seq_len)
    distance_mat = range_vec[None, :] - range_vec[:, None]  # [S, S]
    distance_mat_clipped = jnp.clip(distance_mat, -MAX_REL, MAX_REL)
    final_mat = distance_mat_clipped + MAX_REL  # values in [0, 2*MAX_REL]
    # embedding lookup: gather rows of table -> [S, S, d_model]
    embeddings = jnp.take(table, final_mat, axis=0)
    return embeddings

if __name__ == "__main__":
    import jax
    _d = setup_inputs()
    print(jax.jit(kernel)(*tuple(_d.values())))

</pallas_src>

<mosaic_0001>
#map = affine_map<(d0, d1) -> (0, 0)>
module attributes {stable_mosaic.version = 14 : i64} {
  func.func @_rpe_body(%arg0: i32, %arg1: i32, %arg2: memref<8256x768xf32, #tpu.memory_space<hbm>>, %arg3: memref<262144x768xf32, #tpu.memory_space<hbm>>, %arg4: memref<376x256xf32, #tpu.memory_space<vmem>>) attributes {dimension_semantics = [#tpu.dimension_semantics<core_parallel>, #tpu.dimension_semantics<subcore_parallel>], iteration_bounds = array<i64: 2, 16>, scalar_prefetch = 0 : i64, scratch_operands = 1 : i64, tpu.core_type = #tpu.core_type<sc_vector_subcore>, window_params = [{transform_indices = #map}, {transform_indices = #map}]} {
    %mul3A = arith.constant 2 : i32
    %mul3A_0 = arith.muli %arg1, %mul3A : i32
    %add3A = arith.addi %mul3A_0, %arg0 : i32
    %jit3A = arith.constant 8 : i32
    %div3A = arith.divsi %add3A, %jit3A : i32
    %sign3A = arith.constant 0 : i32
    %sign3A_1 = arith.cmpi sgt, %add3A, %sign3A : i32
    %sign3A_2 = arith.extui %sign3A_1 : i1 to i32
    %sign3A_3 = arith.constant 0 : i32
    %sign3A_4 = arith.cmpi slt, %add3A, %sign3A_3 : i32
    %sign3A_5 = arith.extui %sign3A_4 : i1 to i32
    %sign3A_6 = arith.subi %sign3A_2, %sign3A_5 : i32
    %sign3A_7 = arith.constant 0 : i32
    %sign3A_8 = arith.cmpi sgt, %jit3A, %sign3A_7 : i32
    %sign3A_9 = arith.extui %sign3A_8 : i1 to i32
    %sign3A_10 = arith.constant 0 : i32
    %sign3A_11 = arith.cmpi slt, %jit3A, %sign3A_10 : i32
    %sign3A_12 = arith.extui %sign3A_11 : i1 to i32
    %sign3A_13 = arith.subi %sign3A_9, %sign3A_12 : i32
    %ne3A = arith.cmpi ne, %sign3A_6, %sign3A_13 : i32
    %rem3A = arith.remsi %add3A, %jit3A : i32
    %ne3A_14 = arith.constant 0 : i32
    %ne3A_15 = arith.cmpi ne, %rem3A, %ne3A_14 : i32
    %and3A = arith.andi %ne3A, %ne3A_15 : i1
    %sub3A = arith.constant 1 : i32
    %sub3A_16 = arith.subi %div3A, %sub3A : i32
    %select_n3A = arith.select %and3A, %sub3A_16, %div3A : i32
    %jit3A_17 = arith.constant 8 : i32
    %eq3A = arith.constant 0 : i32
    %eq3A_18 = arith.cmpi eq, %jit3A_17, %eq3A : i32
    %jit3A_19 = arith.constant 1 : i32
    %select_n3A_20 = arith.select %eq3A_18, %jit3A_19, %jit3A_17 : i32
    %rem3A_21 = arith.remsi %add3A, %select_n3A_20 : i32
    %ne3A_22 = arith.constant 0 : i32
    %ne3A_23 = arith.cmpi ne, %rem3A_21, %ne3A_22 : i32
    %lt3A = arith.constant 0 : i32
    %lt3A_24 = arith.cmpi slt, %rem3A_21, %lt3A : i32
    %lt3A_25 = arith.constant 0 : i32
    %lt3A_26 = arith.cmpi slt, %select_n3A_20, %lt3A_25 : i32
    %ne3A_27 = arith.xori %lt3A_24, %lt3A_26 : i1
    %and3A_28 = arith.andi %ne3A_27, %ne3A_23 : i1
    %add3A_29 = arith.addi %rem3A_21, %select_n3A_20 : i32
    %select_n3A_30 = arith.select %and3A_28, %add3A_29, %rem3A_21 : i32
    %scan3A = arith.constant 0 : i32
    %scan3A_31 = arith.constant 0 : i32
    %scan3A_32 = arith.constant 6 : i32
    %scan3A_33 = arith.addi %scan3A_31, %scan3A_32 : i32
    %scan3A_34 = arith.constant 1 : i32
    scf.for %scan3A_36 = %scan3A_31 to %scan3A_33 step %scan3A_34  : i32 {
      %jit3A_37 = arith.constant 3 : i32
      %eq3A_38 = arith.constant 0 : i32
      %eq3A_39 = arith.cmpi eq, %jit3A_37, %eq3A_38 : i32
      %jit3A_40 = arith.constant 1 : i32
      %select_n3A_41 = arith.select %eq3A_39, %jit3A_40, %jit3A_37 : i32
      %rem3A_42 = arith.remsi %scan3A_36, %select_n3A_41 : i32
      %ne3A_43 = arith.constant 0 : i32
      %ne3A_44 = arith.cmpi ne, %rem3A_42, %ne3A_43 : i32
      %lt3A_45 = arith.constant 0 : i32
      %lt3A_46 = arith.cmpi slt, %rem3A_42, %lt3A_45 : i32
      %lt3A_47 = arith.constant 0 : i32
      %lt3A_48 = arith.cmpi slt, %select_n3A_41, %lt3A_47 : i32
      %ne3A_49 = arith.xori %lt3A_46, %lt3A_48 : i1
      %and3A_50 = arith.andi %ne3A_49, %ne3A_44 : i1
      %add3A_51 = arith.addi %rem3A_42, %select_n3A_41 : i32
      %select_n3A_52 = arith.select %and3A_50, %add3A_51, %rem3A_42 : i32
      %jit3A_53 = arith.constant 3 : i32
      %div3A_54 = arith.divsi %scan3A_36, %jit3A_53 : i32
      %sign3A_55 = arith.constant 0 : i32
      %sign3A_56 = arith.cmpi sgt, %scan3A_36, %sign3A_55 : i32
      %sign3A_57 = arith.extui %sign3A_56 : i1 to i32
      %sign3A_58 = arith.constant 0 : i32
      %sign3A_59 = arith.cmpi slt, %scan3A_36, %sign3A_58 : i32
      %sign3A_60 = arith.extui %sign3A_59 : i1 to i32
      %sign3A_61 = arith.subi %sign3A_57, %sign3A_60 : i32
      %sign3A_62 = arith.constant 0 : i32
      %sign3A_63 = arith.cmpi sgt, %jit3A_53, %sign3A_62 : i32
      %sign3A_64 = arith.extui %sign3A_63 : i1 to i32
      %sign3A_65 = arith.constant 0 : i32
      %sign3A_66 = arith.cmpi slt, %jit3A_53, %sign3A_65 : i32
      %sign3A_67 = arith.extui %sign3A_66 : i1 to i32
      %sign3A_68 = arith.subi %sign3A_64, %sign3A_67 : i32
      %ne3A_69 = arith.cmpi ne, %sign3A_61, %sign3A_68 : i32
      %rem3A_70 = arith.remsi %scan3A_36, %jit3A_53 : i32
      %ne3A_71 = arith.constant 0 : i32
      %ne3A_72 = arith.cmpi ne, %rem3A_70, %ne3A_71 : i32
      %and3A_73 = arith.andi %ne3A_69, %ne3A_72 : i1
      %sub3A_74 = arith.constant 1 : i32
      %sub3A_75 = arith.subi %div3A_54, %sub3A_74 : i32
      %select_n3A_76 = arith.select %and3A_73, %sub3A_75, %div3A_54 : i32
      %mul3A_77 = arith.constant 256 : i32
      %mul3A_78 = arith.muli %select_n3A_76, %mul3A_77 : i32
      %mul3A_79 = arith.constant 128 : i32
      %mul3A_80 = arith.muli %select_n3A, %mul3A_79 : i32
      %add3A_81 = arith.addi %mul3A_80, %select_n3A_30 : i32
      %mul3A_82 = arith.constant 1032 : i32
      %mul3A_83 = arith.muli %select_n3A_30, %mul3A_82 : i32
      %add3A_84 = arith.constant 392 : i32
      %add3A_85 = arith.addi %mul3A_83, %add3A_84 : i32
      %mul3A_86 = arith.constant 128 : i32
      %mul3A_87 = arith.muli %select_n3A, %mul3A_86 : i32
      %sub3A_88 = arith.subi %add3A_85, %mul3A_87 : i32
      %add3A_89 = arith.addi %sub3A_88, %mul3A_78 : i32
      %multiple_of3A = tpu.assume_multiple %add3A_89, 8 : i32
      %mul3A_90 = arith.constant 256 : i32
      %mul3A_91 = arith.muli %select_n3A_52, %mul3A_90 : i32
      "tpu.region"() ({
        %run_scoped3A = tpu.sem_alloc : memref<!tpu.dma_semaphore, #tpu.memory_space<semaphore_mem>>
        %dma_start3A = arith.constant 0 : i32
        %dma_start3A_204 = arith.constant 0 : i32
        %dma_start3A_205 = tpu.memref_slice %arg4[%dma_start3A, %dma_start3A_204] : memref<376x256xf32, #tpu.memory_space<vmem>> -> memref<376x256xf32, #tpu.memory_space<vmem>>
        %dma_start3A_206 = tpu.memref_slice %arg2[%multiple_of3A, %mul3A_91] : memref<8256x768xf32, #tpu.memory_space<hbm>> -> memref<376x256xf32, #tpu.memory_space<hbm>>
        %dma_start3A_207 = arith.constant 0 : i32
        %dma_start3A_208 = arith.constant 0 : i32
        %dma_start3A_209 = tpu.memref_slice %arg4[%dma_start3A_207, %dma_start3A_208] : memref<376x256xf32, #tpu.memory_space<vmem>> -> memref<376x256xf32, #tpu.memory_space<vmem>>
        %dma_start3A_210 = tpu.memref_slice %arg2[%multiple_of3A, %mul3A_91] : memref<8256x768xf32, #tpu.memory_space<hbm>> -> memref<376x256xf32, #tpu.memory_space<hbm>>
        tpu.enqueue_dma source(%dma_start3A_210 : memref<376x256xf32, #tpu.memory_space<hbm>>) target(%dma_start3A_209 : memref<376x256xf32, #tpu.memory_space<vmem>>) target_semaphore(%run_scoped3A : memref<!tpu.dma_semaphore, #tpu.memory_space<semaphore_mem>>)
        %dma_wait3A = arith.constant 0 : i32
        %dma_wait3A_211 = arith.constant 0 : i32
        %dma_wait3A_212 = tpu.memref_slice %arg4[%dma_wait3A, %dma_wait3A_211] : memref<376x256xf32, #tpu.memory_space<vmem>> -> memref<376x256xf32, #tpu.memory_space<vmem>>
        %dma_wait3A_213 = tpu.memref_slice %arg2[%multiple_of3A, %mul3A_91] : memref<8256x768xf32, #tpu.memory_space<hbm>> -> memref<376x256xf32, #tpu.memory_space<hbm>>
        %dma_wait3A_214 = arith.constant 0 : i32
        %dma_wait3A_215 = arith.constant 0 : i32
        %dma_wait3A_216 = tpu.memref_slice %arg4[%dma_wait3A_214, %dma_wait3A_215] : memref<376x256xf32, #tpu.memory_space<vmem>> -> memref<376x256xf32, #tpu.memory_space<vmem>>
        %dma_wait3A_217 = tpu.memref_slice %arg2[%multiple_of3A, %mul3A_91] : memref<8256x768xf32, #tpu.memory_space<hbm>> -> memref<376x256xf32, #tpu.memory_space<hbm>>
        tpu.wait_dma2 semaphore(%run_scoped3A : memref<!tpu.dma_semaphore, #tpu.memory_space<semaphore_mem>>) src(%dma_wait3A_217 : memref<376x256xf32, #tpu.memory_space<hbm>>) dst(%dma_wait3A_216 : memref<376x256xf32, #tpu.memory_space<vmem>>)
        tpu.yield
      }) : () -> ()
      %add3A_92 = arith.constant 0 : i32
      %add3A_93 = arith.addi %add3A_81, %add3A_92 : i32
      %mul3A_94 = arith.constant 512 : i32
      %mul3A_95 = arith.muli %add3A_93, %mul3A_94 : i32
      %add3A_96 = arith.addi %mul3A_95, %mul3A_78 : i32
      %mul3A_97 = arith.constant 256 : i32
      %mul3A_98 = arith.muli %select_n3A_52, %mul3A_97 : i32
      "tpu.region"() ({
        %run_scoped3A = tpu.sem_alloc : memref<!tpu.dma_semaphore, #tpu.memory_space<semaphore_mem>>
        %dma_start3A = arith.constant 120 : i32
        %dma_start3A_204 = arith.constant 0 : i32
        %dma_start3A_205 = tpu.memref_slice %arg4[%dma_start3A, %dma_start3A_204] : memref<376x256xf32, #tpu.memory_space<vmem>> -> memref<256x256xf32, #tpu.memory_space<vmem>>
        %dma_start3A_206 = tpu.memref_slice %arg3[%add3A_96, %mul3A_98] : memref<262144x768xf32, #tpu.memory_space<hbm>> -> memref<256x256xf32, #tpu.memory_space<hbm>>
        %dma_start3A_207 = tpu.memref_slice %arg3[%add3A_96, %mul3A_98] : memref<262144x768xf32, #tpu.memory_space<hbm>> -> memref<256x256xf32, #tpu.memory_space<hbm>>
        %dma_start3A_208 = arith.constant 120 : i32
        %dma_start3A_209 = arith.constant 0 : i32
        %dma_start3A_210 = tpu.memref_slice %arg4[%dma_start3A_208, %dma_start3A_209] : memref<376x256xf32, #tpu.memory_space<vmem>> -> memref<256x256xf32, #tpu.memory_space<vmem>>
        tpu.enqueue_dma source(%dma_start3A_210 : memref<256x256xf32, #tpu.memory_space<vmem>>) target(%dma_start3A_207 : memref<256x256xf32, #tpu.memory_space<hbm>>) target_semaphore(%run_scoped3A : memref<!tpu.dma_semaphore, #tpu.memory_space<semaphore_mem>>)
        %dma_wait3A = arith.constant 120 : i32
        %dma_wait3A_211 = arith.constant 0 : i32
        %dma_wait3A_212 = tpu.memref_slice %arg4[%dma_wait3A, %dma_wait3A_211] : memref<376x256xf32, #tpu.memory_space<vmem>> -> memref<256x256xf32, #tpu.memory_space<vmem>>
        %dma_wait3A_213 = tpu.memref_slice %arg3[%add3A_96, %mul3A_98] : memref<262144x768xf32, #tpu.memory_space<hbm>> -> memref<256x256xf32, #tpu.memory_space<hbm>>
        %dma_wait3A_214 = tpu.memref_slice %arg3[%add3A_96, %mul3A_98] : memref<262144x768xf32, #tpu.memory_space<hbm>> -> memref<256x256xf32, #tpu.memory_space<hbm>>
        %dma_wait3A_215 = arith.constant 120 : i32
        %dma_wait3A_216 = arith.constant 0 : i32
        %dma_wait3A_217 = tpu.memref_slice %arg4[%dma_wait3A_215, %dma_wait3A_216] : memref<376x256xf32, #tpu.memory_space<vmem>> -> memref<256x256xf32, #tpu.memory_space<vmem>>
        tpu.wait_dma2 semaphore(%run_scoped3A : memref<!tpu.dma_semaphore, #tpu.memory_space<semaphore_mem>>) src(%dma_wait3A_217 : memref<256x256xf32, #tpu.memory_space<vmem>>) dst(%dma_wait3A_214 : memref<256x256xf32, #tpu.memory_space<hbm>>)
        tpu.yield
      }) : () -> ()
      %add3A_99 = arith.constant 8 : i32
      %add3A_100 = arith.addi %add3A_81, %add3A_99 : i32
      %mul3A_101 = arith.constant 512 : i32
      %mul3A_102 = arith.muli %add3A_100, %mul3A_101 : i32
      %add3A_103 = arith.addi %mul3A_102, %mul3A_78 : i32
      %mul3A_104 = arith.constant 256 : i32
      %mul3A_105 = arith.muli %select_n3A_52, %mul3A_104 : i32
      "tpu.region"() ({
        %run_scoped3A = tpu.sem_alloc : memref<!tpu.dma_semaphore, #tpu.memory_space<semaphore_mem>>
        %dma_start3A = arith.constant 112 : i32
        %dma_start3A_204 = arith.constant 0 : i32
        %dma_start3A_205 = tpu.memref_slice %arg4[%dma_start3A, %dma_start3A_204] : memref<376x256xf32, #tpu.memory_space<vmem>> -> memref<256x256xf32, #tpu.memory_space<vmem>>
        %dma_start3A_206 = tpu.memref_slice %arg3[%add3A_103, %mul3A_105] : memref<262144x768xf32, #tpu.memory_space<hbm>> -> memref<256x256xf32, #tpu.memory_space<hbm>>
        %dma_start3A_207 = tpu.memref_slice %arg3[%add3A_103, %mul3A_105] : memref<262144x768xf32, #tpu.memory_space<hbm>> -> memref<256x256xf32, #tpu.memory_space<hbm>>
        %dma_start3A_208 = arith.constant 112 : i32
        %dma_start3A_209 = arith.constant 0 : i32
        %dma_start3A_210 = tpu.memref_slice %arg4[%dma_start3A_208, %dma_start3A_209] : memref<376x256xf32, #tpu.memory_space<vmem>> -> memref<256x256xf32, #tpu.memory_space<vmem>>
        tpu.enqueue_dma source(%dma_start3A_210 : memref<256x256xf32, #tpu.memory_space<vmem>>) target(%dma_start3A_207 : memref<256x256xf32, #tpu.memory_space<hbm>>) target_semaphore(%run_scoped3A : memref<!tpu.dma_semaphore, #tpu.memory_space<semaphore_mem>>)
        %dma_wait3A = arith.constant 112 : i32
        %dma_wait3A_211 = arith.constant 0 : i32
        %dma_wait3A_212 = tpu.memref_slice %arg4[%dma_wait3A, %dma_wait3A_211] : memref<376x256xf32, #tpu.memory_space<vmem>> -> memref<256x256xf32, #tpu.memory_space<vmem>>
        %dma_wait3A_213 = tpu.memref_slice %arg3[%add3A_103, %mul3A_105] : memref<262144x768xf32, #tpu.memory_space<hbm>> -> memref<256x256xf32, #tpu.memory_space<hbm>>
        %dma_wait3A_214 = tpu.memref_slice %arg3[%add3A_103, %mul3A_105] : memref<262144x768xf32, #tpu.memory_space<hbm>> -> memref<256x256xf32, #tpu.memory_space<hbm>>
        %dma_wait3A_215 = arith.constant 112 : i32
        %dma_wait3A_216 = arith.constant 0 : i32
        %dma_wait3A_217 = tpu.memref_slice %arg4[%dma_wait3A_215, %dma_wait3A_216] : memref<376x256xf32, #tpu.memory_space<vmem>> -> memref<256x256xf32, #tpu.memory_space<vmem>>
        tpu.wait_dma2 semaphore(%run_scoped3A : memref<!tpu.dma_semaphore, #tpu.memory_space<semaphore_mem>>) src(%dma_wait3A_217 : memref<256x256xf32, #tpu.memory_space<vmem>>) dst(%dma_wait3A_214 : memref<256x256xf32, #tpu.memory_space<hbm>>)
        tpu.yield
      }) : () -> ()
      %add3A_106 = arith.constant 16 : i32
      %add3A_107 = arith.addi %add3A_81, %add3A_106 : i32
      %mul3A_108 = arith.constant 512 : i32
      %mul3A_109 = arith.muli %add3A_107, %mul3A_108 : i32
      %add3A_110 = arith.addi %mul3A_109, %mul3A_78 : i32
      %mul3A_111 = arith.constant 256 : i32
      %mul3A_112 = arith.muli %select_n3A_52, %mul3A_111 : i32
      "tpu.region"() ({
        %run_scoped3A = tpu.sem_alloc : memref<!tpu.dma_semaphore, #tpu.memory_space<semaphore_mem>>
        %dma_start3A = arith.constant 104 : i32
        %dma_start3A_204 = arith.constant 0 : i32
        %dma_start3A_205 = tpu.memref_slice %arg4[%dma_start3A, %dma_start3A_204] : memref<376x256xf32, #tpu.memory_space<vmem>> -> memref<256x256xf32, #tpu.memory_space<vmem>>
        %dma_start3A_206 = tpu.memref_slice %arg3[%add3A_110, %mul3A_112] : memref<262144x768xf32, #tpu.memory_space<hbm>> -> memref<256x256xf32, #tpu.memory_space<hbm>>
        %dma_start3A_207 = tpu.memref_slice %arg3[%add3A_110, %mul3A_112] : memref<262144x768xf32, #tpu.memory_space<hbm>> -> memref<256x256xf32, #tpu.memory_space<hbm>>
        %dma_start3A_208 = arith.constant 104 : i32
        %dma_start3A_209 = arith.constant 0 : i32
        %dma_start3A_210 = tpu.memref_slice %arg4[%dma_start3A_208, %dma_start3A_209] : memref<376x256xf32, #tpu.memory_space<vmem>> -> memref<256x256xf32, #tpu.memory_space<vmem>>
        tpu.enqueue_dma source(%dma_start3A_210 : memref<256x256xf32, #tpu.memory_space<vmem>>) target(%dma_start3A_207 : memref<256x256xf32, #tpu.memory_space<hbm>>) target_semaphore(%run_scoped3A : memref<!tpu.dma_semaphore, #tpu.memory_space<semaphore_mem>>)
        %dma_wait3A = arith.constant 104 : i32
        %dma_wait3A_211 = arith.constant 0 : i32
        %dma_wait3A_212 = tpu.memref_slice %arg4[%dma_wait3A, %dma_wait3A_211] : memref<376x256xf32, #tpu.memory_space<vmem>> -> memref<256x256xf32, #tpu.memory_space<vmem>>
        %dma_wait3A_213 = tpu.memref_slice %arg3[%add3A_110, %mul3A_112] : memref<262144x768xf32, #tpu.memory_space<hbm>> -> memref<256x256xf32, #tpu.memory_space<hbm>>
        %dma_wait3A_214 = tpu.memref_slice %arg3[%add3A_110, %mul3A_112] : memref<262144x768xf32, #tpu.memory_space<hbm>> -> memref<256x256xf32, #tpu.memory_space<hbm>>
        %dma_wait3A_215 = arith.constant 104 : i32
        %dma_wait3A_216 = arith.constant 0 : i32
        %dma_wait3A_217 = tpu.memref_slice %arg4[%dma_wait3A_215, %dma_wait3A_216] : memref<376x256xf32, #tpu.memory_space<vmem>> -> memref<256x256xf32, #tpu.memory_space<vmem>>
        tpu.wait_dma2 semaphore(%run_scoped3A : memref<!tpu.dma_semaphore, #tpu.memory_space<semaphore_mem>>) src(%dma_wait3A_217 : memref<256x256xf32, #tpu.memory_space<vmem>>) dst(%dma_wait3A_214 : memref<256x256xf32, #tpu.memory_space<hbm>>)
        tpu.yield
      }) : () -> ()
      %add3A_113 = arith.constant 24 : i32
      %add3A_114 = arith.addi %add3A_81, %add3A_113 : i32
      %mul3A_115 = arith.constant 512 : i32
      %mul3A_116 = arith.muli %add3A_114, %mul3A_115 : i32
      %add3A_117 = arith.addi %mul3A_116, %mul3A_78 : i32
      %mul3A_118 = arith.constant 256 : i32
      %mul3A_119 = arith.muli %select_n3A_52, %mul3A_118 : i32
      "tpu.region"() ({
        %run_scoped3A = tpu.sem_alloc : memref<!tpu.dma_semaphore, #tpu.memory_space<semaphore_mem>>
        %dma_start3A = arith.constant 96 : i32
        %dma_start3A_204 = arith.constant 0 : i32
        %dma_start3A_205 = tpu.memref_slice %arg4[%dma_start3A, %dma_start3A_204] : memref<376x256xf32, #tpu.memory_space<vmem>> -> memref<256x256xf32, #tpu.memory_space<vmem>>
        %dma_start3A_206 = tpu.memref_slice %arg3[%add3A_117, %mul3A_119] : memref<262144x768xf32, #tpu.memory_space<hbm>> -> memref<256x256xf32, #tpu.memory_space<hbm>>
        %dma_start3A_207 = tpu.memref_slice %arg3[%add3A_117, %mul3A_119] : memref<262144x768xf32, #tpu.memory_space<hbm>> -> memref<256x256xf32, #tpu.memory_space<hbm>>
        %dma_start3A_208 = arith.constant 96 : i32
        %dma_start3A_209 = arith.constant 0 : i32
        %dma_start3A_210 = tpu.memref_slice %arg4[%dma_start3A_208, %dma_start3A_209] : memref<376x256xf32, #tpu.memory_space<vmem>> -> memref<256x256xf32, #tpu.memory_space<vmem>>
        tpu.enqueue_dma source(%dma_start3A_210 : memref<256x256xf32, #tpu.memory_space<vmem>>) target(%dma_start3A_207 : memref<256x256xf32, #tpu.memory_space<hbm>>) target_semaphore(%run_scoped3A : memref<!tpu.dma_semaphore, #tpu.memory_space<semaphore_mem>>)
        %dma_wait3A = arith.constant 96 : i32
        %dma_wait3A_211 = arith.constant 0 : i32
        %dma_wait3A_212 = tpu.memref_slice %arg4[%dma_wait3A, %dma_wait3A_211] : memref<376x256xf32, #tpu.memory_space<vmem>> -> memref<256x256xf32, #tpu.memory_space<vmem>>
        %dma_wait3A_213 = tpu.memref_slice %arg3[%add3A_117, %mul3A_119] : memref<262144x768xf32, #tpu.memory_space<hbm>> -> memref<256x256xf32, #tpu.memory_space<hbm>>
        %dma_wait3A_214 = tpu.memref_slice %arg3[%add3A_117, %mul3A_119] : memref<262144x768xf32, #tpu.memory_space<hbm>> -> memref<256x256xf32, #tpu.memory_space<hbm>>
        %dma_wait3A_215 = arith.constant 96 : i32
        %dma_wait3A_216 = arith.constant 0 : i32
        %dma_wait3A_217 = tpu.memref_slice %arg4[%dma_wait3A_215, %dma_wait3A_216] : memref<376x256xf32, #tpu.memory_space<vmem>> -> memref<256x256xf32, #tpu.memory_space<vmem>>
        tpu.wait_dma2 semaphore(%run_scoped3A : memref<!tpu.dma_semaphore, #tpu.memory_space<semaphore_mem>>) src(%dma_wait3A_217 : memref<256x256xf32, #tpu.memory_space<vmem>>) dst(%dma_wait3A_214 : memref<256x256xf32, #tpu.memory_space<hbm>>)
        tpu.yield
      }) : () -> ()
      %add3A_120 = arith.constant 32 : i32
      %add3A_121 = arith.addi %add3A_81, %add3A_120 : i32
      %mul3A_122 = arith.constant 512 : i32
      %mul3A_123 = arith.muli %add3A_121, %mul3A_122 : i32
      %add3A_124 = arith.addi %mul3A_123, %mul3A_78 : i32
      %mul3A_125 = arith.constant 256 : i32
      %mul3A_126 = arith.muli %select_n3A_52, %mul3A_125 : i32
      "tpu.region"() ({
        %run_scoped3A = tpu.sem_alloc : memref<!tpu.dma_semaphore, #tpu.memory_space<semaphore_mem>>
        %dma_start3A = arith.constant 88 : i32
        %dma_start3A_204 = arith.constant 0 : i32
        %dma_start3A_205 = tpu.memref_slice %arg4[%dma_start3A, %dma_start3A_204] : memref<376x256xf32, #tpu.memory_space<vmem>> -> memref<256x256xf32, #tpu.memory_space<vmem>>
        %dma_start3A_206 = tpu.memref_slice %arg3[%add3A_124, %mul3A_126] : memref<262144x768xf32, #tpu.memory_space<hbm>> -> memref<256x256xf32, #tpu.memory_space<hbm>>
        %dma_start3A_207 = tpu.memref_slice %arg3[%add3A_124, %mul3A_126] : memref<262144x768xf32, #tpu.memory_space<hbm>> -> memref<256x256xf32, #tpu.memory_space<hbm>>
        %dma_start3A_208 = arith.constant 88 : i32
        %dma_start3A_209 = arith.constant 0 : i32
        %dma_start3A_210 = tpu.memref_slice %arg4[%dma_start3A_208, %dma_start3A_209] : memref<376x256xf32, #tpu.memory_space<vmem>> -> memref<256x256xf32, #tpu.memory_space<vmem>>
        tpu.enqueue_dma source(%dma_start3A_210 : memref<256x256xf32, #tpu.memory_space<vmem>>) target(%dma_start3A_207 : memref<256x256xf32, #tpu.memory_space<hbm>>) target_semaphore(%run_scoped3A : memref<!tpu.dma_semaphore, #tpu.memory_space<semaphore_mem>>)
        %dma_wait3A = arith.constant 88 : i32
        %dma_wait3A_211 = arith.constant 0 : i32
        %dma_wait3A_212 = tpu.memref_slice %arg4[%dma_wait3A, %dma_wait3A_211] : memref<376x256xf32, #tpu.memory_space<vmem>> -> memref<256x256xf32, #tpu.memory_space<vmem>>
        %dma_wait3A_213 = tpu.memref_slice %arg3[%add3A_124, %mul3A_126] : memref<262144x768xf32, #tpu.memory_space<hbm>> -> memref<256x256xf32, #tpu.memory_space<hbm>>
        %dma_wait3A_214 = tpu.memref_slice %arg3[%add3A_124, %mul3A_126] : memref<262144x768xf32, #tpu.memory_space<hbm>> -> memref<256x256xf32, #tpu.memory_space<hbm>>
        %dma_wait3A_215 = arith.constant 88 : i32
        %dma_wait3A_216 = arith.constant 0 : i32
        %dma_wait3A_217 = tpu.memref_slice %arg4[%dma_wait3A_215, %dma_wait3A_216] : memref<376x256xf32, #tpu.memory_space<vmem>> -> memref<256x256xf32, #tpu.memory_space<vmem>>
        tpu.wait_dma2 semaphore(%run_scoped3A : memref<!tpu.dma_semaphore, #tpu.memory_space<semaphore_mem>>) src(%dma_wait3A_217 : memref<256x256xf32, #tpu.memory_space<vmem>>) dst(%dma_wait3A_214 : memref<256x256xf32, #tpu.memory_space<hbm>>)
        tpu.yield
      }) : () -> ()
      %add3A_127 = arith.constant 40 : i32
      %add3A_128 = arith.addi %add3A_81, %add3A_127 : i32
      %mul3A_129 = arith.constant 512 : i32
      %mul3A_130 = arith.muli %add3A_128, %mul3A_129 : i32
      %add3A_131 = arith.addi %mul3A_130, %mul3A_78 : i32
      %mul3A_132 = arith.constant 256 : i32
      %mul3A_133 = arith.muli %select_n3A_52, %mul3A_132 : i32
      "tpu.region"() ({
        %run_scoped3A = tpu.sem_alloc : memref<!tpu.dma_semaphore, #tpu.memory_space<semaphore_mem>>
        %dma_start3A = arith.constant 80 : i32
        %dma_start3A_204 = arith.constant 0 : i32
        %dma_start3A_205 = tpu.memref_slice %arg4[%dma_start3A, %dma_start3A_204] : memref<376x256xf32, #tpu.memory_space<vmem>> -> memref<256x256xf32, #tpu.memory_space<vmem>>
        %dma_start3A_206 = tpu.memref_slice %arg3[%add3A_131, %mul3A_133] : memref<262144x768xf32, #tpu.memory_space<hbm>> -> memref<256x256xf32, #tpu.memory_space<hbm>>
        %dma_start3A_207 = tpu.memref_slice %arg3[%add3A_131, %mul3A_133] : memref<262144x768xf32, #tpu.memory_space<hbm>> -> memref<256x256xf32, #tpu.memory_space<hbm>>
        %dma_start3A_208 = arith.constant 80 : i32
        %dma_start3A_209 = arith.constant 0 : i32
        %dma_start3A_210 = tpu.memref_slice %arg4[%dma_start3A_208, %dma_start3A_209] : memref<376x256xf32, #tpu.memory_space<vmem>> -> memref<256x256xf32, #tpu.memory_space<vmem>>
        tpu.enqueue_dma source(%dma_start3A_210 : memref<256x256xf32, #tpu.memory_space<vmem>>) target(%dma_start3A_207 : memref<256x256xf32, #tpu.memory_space<hbm>>) target_semaphore(%run_scoped3A : memref<!tpu.dma_semaphore, #tpu.memory_space<semaphore_mem>>)
        %dma_wait3A = arith.constant 80 : i32
        %dma_wait3A_211 = arith.constant 0 : i32
        %dma_wait3A_212 = tpu.memref_slice %arg4[%dma_wait3A, %dma_wait3A_211] : memref<376x256xf32, #tpu.memory_space<vmem>> -> memref<256x256xf32, #tpu.memory_space<vmem>>
        %dma_wait3A_213 = tpu.memref_slice %arg3[%add3A_131, %mul3A_133] : memref<262144x768xf32, #tpu.memory_space<hbm>> -> memref<256x256xf32, #tpu.memory_space<hbm>>
        %dma_wait3A_214 = tpu.memref_slice %arg3[%add3A_131, %mul3A_133] : memref<262144x768xf32, #tpu.memory_space<hbm>> -> memref<256x256xf32, #tpu.memory_space<hbm>>
        %dma_wait3A_215 = arith.constant 80 : i32
        %dma_wait3A_216 = arith.constant 0 : i32
        %dma_wait3A_217 = tpu.memref_slice %arg4[%dma_wait3A_215, %dma_wait3A_216] : memref<376x256xf32, #tpu.memory_space<vmem>> -> memref<256x256xf32, #tpu.memory_space<vmem>>
        tpu.wait_dma2 semaphore(%run_scoped3A : memref<!tpu.dma_semaphore, #tpu.memory_space<semaphore_mem>>) src(%dma_wait3A_217 : memref<256x256xf32, #tpu.memory_space<vmem>>) dst(%dma_wait3A_214 : memref<256x256xf32, #tpu.memory_space<hbm>>)
        tpu.yield
      }) : () -> ()
      %add3A_134 = arith.constant 48 : i32
      %add3A_135 = arith.addi %add3A_81, %add3A_134 : i32
      %mul3A_136 = arith.constant 512 : i32
      %mul3A_137 = arith.muli %add3A_135, %mul3A_136 : i32
      %add3A_138 = arith.addi %mul3A_137, %mul3A_78 : i32
      %mul3A_139 = arith.constant 256 : i32
      %mul3A_140 = arith.muli %select_n3A_52, %mul3A_139 : i32
      "tpu.region"() ({
        %run_scoped3A = tpu.sem_alloc : memref<!tpu.dma_semaphore, #tpu.memory_space<semaphore_mem>>
        %dma_start3A = arith.constant 72 : i32
        %dma_start3A_204 = arith.constant 0 : i32
        %dma_start3A_205 = tpu.memref_slice %arg4[%dma_start3A, %dma_start3A_204] : memref<376x256xf32, #tpu.memory_space<vmem>> -> memref<256x256xf32, #tpu.memory_space<vmem>>
        %dma_start3A_206 = tpu.memref_slice %arg3[%add3A_138, %mul3A_140] : memref<262144x768xf32, #tpu.memory_space<hbm>> -> memref<256x256xf32, #tpu.memory_space<hbm>>
        %dma_start3A_207 = tpu.memref_slice %arg3[%add3A_138, %mul3A_140] : memref<262144x768xf32, #tpu.memory_space<hbm>> -> memref<256x256xf32, #tpu.memory_space<hbm>>
        %dma_start3A_208 = arith.constant 72 : i32
        %dma_start3A_209 = arith.constant 0 : i32
        %dma_start3A_210 = tpu.memref_slice %arg4[%dma_start3A_208, %dma_start3A_209] : memref<376x256xf32, #tpu.memory_space<vmem>> -> memref<256x256xf32, #tpu.memory_space<vmem>>
        tpu.enqueue_dma source(%dma_start3A_210 : memref<256x256xf32, #tpu.memory_space<vmem>>) target(%dma_start3A_207 : memref<256x256xf32, #tpu.memory_space<hbm>>) target_semaphore(%run_scoped3A : memref<!tpu.dma_semaphore, #tpu.memory_space<semaphore_mem>>)
        %dma_wait3A = arith.constant 72 : i32
        %dma_wait3A_211 = arith.constant 0 : i32
        %dma_wait3A_212 = tpu.memref_slice %arg4[%dma_wait3A, %dma_wait3A_211] : memref<376x256xf32, #tpu.memory_space<vmem>> -> memref<256x256xf32, #tpu.memory_space<vmem>>
        %dma_wait3A_213 = tpu.memref_slice %arg3[%add3A_138, %mul3A_140] : memref<262144x768xf32, #tpu.memory_space<hbm>> -> memref<256x256xf32, #tpu.memory_space<hbm>>
        %dma_wait3A_214 = tpu.memref_slice %arg3[%add3A_138, %mul3A_140] : memref<262144x768xf32, #tpu.memory_space<hbm>> -> memref<256x256xf32, #tpu.memory_space<hbm>>
        %dma_wait3A_215 = arith.constant 72 : i32
        %dma_wait3A_216 = arith.constant 0 : i32
        %dma_wait3A_217 = tpu.memref_slice %arg4[%dma_wait3A_215, %dma_wait3A_216] : memref<376x256xf32, #tpu.memory_space<vmem>> -> memref<256x256xf32, #tpu.memory_space<vmem>>
        tpu.wait_dma2 semaphore(%run_scoped3A : memref<!tpu.dma_semaphore, #tpu.memory_space<semaphore_mem>>) src(%dma_wait3A_217 : memref<256x256xf32, #tpu.memory_space<vmem>>) dst(%dma_wait3A_214 : memref<256x256xf32, #tpu.memory_space<hbm>>)
        tpu.yield
      }) : () -> ()
      %add3A_141 = arith.constant 56 : i32
      %add3A_142 = arith.addi %add3A_81, %add3A_141 : i32
      %mul3A_143 = arith.constant 512 : i32
      %mul3A_144 = arith.muli %add3A_142, %mul3A_143 : i32
      %add3A_145 = arith.addi %mul3A_144, %mul3A_78 : i32
      %mul3A_146 = arith.constant 256 : i32
      %mul3A_147 = arith.muli %select_n3A_52, %mul3A_146 : i32
      "tpu.region"() ({
        %run_scoped3A = tpu.sem_alloc : memref<!tpu.dma_semaphore, #tpu.memory_space<semaphore_mem>>
        %dma_start3A = arith.constant 64 : i32
        %dma_start3A_204 = arith.constant 0 : i32
        %dma_start3A_205 = tpu.memref_slice %arg4[%dma_start3A, %dma_start3A_204] : memref<376x256xf32, #tpu.memory_space<vmem>> -> memref<256x256xf32, #tpu.memory_space<vmem>>
        %dma_start3A_206 = tpu.memref_slice %arg3[%add3A_145, %mul3A_147] : memref<262144x768xf32, #tpu.memory_space<hbm>> -> memref<256x256xf32, #tpu.memory_space<hbm>>
        %dma_start3A_207 = tpu.memref_slice %arg3[%add3A_145, %mul3A_147] : memref<262144x768xf32, #tpu.memory_space<hbm>> -> memref<256x256xf32, #tpu.memory_space<hbm>>
        %dma_start3A_208 = arith.constant 64 : i32
        %dma_start3A_209 = arith.constant 0 : i32
        %dma_start3A_210 = tpu.memref_slice %arg4[%dma_start3A_208, %dma_start3A_209] : memref<376x256xf32, #tpu.memory_space<vmem>> -> memref<256x256xf32, #tpu.memory_space<vmem>>
        tpu.enqueue_dma source(%dma_start3A_210 : memref<256x256xf32, #tpu.memory_space<vmem>>) target(%dma_start3A_207 : memref<256x256xf32, #tpu.memory_space<hbm>>) target_semaphore(%run_scoped3A : memref<!tpu.dma_semaphore, #tpu.memory_space<semaphore_mem>>)
        %dma_wait3A = arith.constant 64 : i32
        %dma_wait3A_211 = arith.constant 0 : i32
        %dma_wait3A_212 = tpu.memref_slice %arg4[%dma_wait3A, %dma_wait3A_211] : memref<376x256xf32, #tpu.memory_space<vmem>> -> memref<256x256xf32, #tpu.memory_space<vmem>>
        %dma_wait3A_213 = tpu.memref_slice %arg3[%add3A_145, %mul3A_147] : memref<262144x768xf32, #tpu.memory_space<hbm>> -> memref<256x256xf32, #tpu.memory_space<hbm>>
        %dma_wait3A_214 = tpu.memref_slice %arg3[%add3A_145, %mul3A_147] : memref<262144x768xf32, #tpu.memory_space<hbm>> -> memref<256x256xf32, #tpu.memory_space<hbm>>
        %dma_wait3A_215 = arith.constant 64 : i32
        %dma_wait3A_216 = arith.constant 0 : i32
        %dma_wait3A_217 = tpu.memref_slice %arg4[%dma_wait3A_215, %dma_wait3A_216] : memref<376x256xf32, #tpu.memory_space<vmem>> -> memref<256x256xf32, #tpu.memory_space<vmem>>
        tpu.wait_dma2 semaphore(%run_scoped3A : memref<!tpu.dma_semaphore, #tpu.memory_space<semaphore_mem>>) src(%dma_wait3A_217 : memref<256x256xf32, #tpu.memory_space<vmem>>) dst(%dma_wait3A_214 : memref<256x256xf32, #tpu.memory_space<hbm>>)
        tpu.yield
      }) : () -> ()
      %add3A_148 = arith.constant 64 : i32
      %add3A_149 = arith.addi %add3A_81, %add3A_148 : i32
      %mul3A_150 = arith.constant 512 : i32
      %mul3A_151 = arith.muli %add3A_149, %mul3A_150 : i32
      %add3A_152 = arith.addi %mul3A_151, %mul3A_78 : i32
      %mul3A_153 = arith.constant 256 : i32
      %mul3A_154 = arith.muli %select_n3A_52, %mul3A_153 : i32
      "tpu.region"() ({
        %run_scoped3A = tpu.sem_alloc : memref<!tpu.dma_semaphore, #tpu.memory_space<semaphore_mem>>
        %dma_start3A = arith.constant 56 : i32
        %dma_start3A_204 = arith.constant 0 : i32
        %dma_start3A_205 = tpu.memref_slice %arg4[%dma_start3A, %dma_start3A_204] : memref<376x256xf32, #tpu.memory_space<vmem>> -> memref<256x256xf32, #tpu.memory_space<vmem>>
        %dma_start3A_206 = tpu.memref_slice %arg3[%add3A_152, %mul3A_154] : memref<262144x768xf32, #tpu.memory_space<hbm>> -> memref<256x256xf32, #tpu.memory_space<hbm>>
        %dma_start3A_207 = tpu.memref_slice %arg3[%add3A_152, %mul3A_154] : memref<262144x768xf32, #tpu.memory_space<hbm>> -> memref<256x256xf32, #tpu.memory_space<hbm>>
        %dma_start3A_208 = arith.constant 56 : i32
        %dma_start3A_209 = arith.constant 0 : i32
        %dma_start3A_210 = tpu.memref_slice %arg4[%dma_start3A_208, %dma_start3A_209] : memref<376x256xf32, #tpu.memory_space<vmem>> -> memref<256x256xf32, #tpu.memory_space<vmem>>
        tpu.enqueue_dma source(%dma_start3A_210 : memref<256x256xf32, #tpu.memory_space<vmem>>) target(%dma_start3A_207 : memref<256x256xf32, #tpu.memory_space<hbm>>) target_semaphore(%run_scoped3A : memref<!tpu.dma_semaphore, #tpu.memory_space<semaphore_mem>>)
        %dma_wait3A = arith.constant 56 : i32
        %dma_wait3A_211 = arith.constant 0 : i32
        %dma_wait3A_212 = tpu.memref_slice %arg4[%dma_wait3A, %dma_wait3A_211] : memref<376x256xf32, #tpu.memory_space<vmem>> -> memref<256x256xf32, #tpu.memory_space<vmem>>
        %dma_wait3A_213 = tpu.memref_slice %arg3[%add3A_152, %mul3A_154] : memref<262144x768xf32, #tpu.memory_space<hbm>> -> memref<256x256xf32, #tpu.memory_space<hbm>>
        %dma_wait3A_214 = tpu.memref_slice %arg3[%add3A_152, %mul3A_154] : memref<262144x768xf32, #tpu.memory_space<hbm>> -> memref<256x256xf32, #tpu.memory_space<hbm>>
        %dma_wait3A_215 = arith.constant 56 : i32
        %dma_wait3A_216 = arith.constant 0 : i32
        %dma_wait3A_217 = tpu.memref_slice %arg4[%dma_wait3A_215, %dma_wait3A_216] : memref<376x256xf32, #tpu.memory_space<vmem>> -> memref<256x256xf32, #tpu.memory_space<vmem>>
        tpu.wait_dma2 semaphore(%run_scoped3A : memref<!tpu.dma_semaphore, #tpu.memory_space<semaphore_mem>>) src(%dma_wait3A_217 : memref<256x256xf32, #tpu.memory_space<vmem>>) dst(%dma_wait3A_214 : memref<256x256xf32, #tpu.memory_space<hbm>>)
        tpu.yield
      }) : () -> ()
      %add3A_155 = arith.constant 72 : i32
      %add3A_156 = arith.addi %add3A_81, %add3A_155 : i32
      %mul3A_157 = arith.constant 512 : i32
      %mul3A_158 = arith.muli %add3A_156, %mul3A_157 : i32
      %add3A_159 = arith.addi %mul3A_158, %mul3A_78 : i32
      %mul3A_160 = arith.constant 256 : i32
      %mul3A_161 = arith.muli %select_n3A_52, %mul3A_160 : i32
      "tpu.region"() ({
        %run_scoped3A = tpu.sem_alloc : memref<!tpu.dma_semaphore, #tpu.memory_space<semaphore_mem>>
        %dma_start3A = arith.constant 48 : i32
        %dma_start3A_204 = arith.constant 0 : i32
        %dma_start3A_205 = tpu.memref_slice %arg4[%dma_start3A, %dma_start3A_204] : memref<376x256xf32, #tpu.memory_space<vmem>> -> memref<256x256xf32, #tpu.memory_space<vmem>>
        %dma_start3A_206 = tpu.memref_slice %arg3[%add3A_159, %mul3A_161] : memref<262144x768xf32, #tpu.memory_space<hbm>> -> memref<256x256xf32, #tpu.memory_space<hbm>>
        %dma_start3A_207 = tpu.memref_slice %arg3[%add3A_159, %mul3A_161] : memref<262144x768xf32, #tpu.memory_space<hbm>> -> memref<256x256xf32, #tpu.memory_space<hbm>>
        %dma_start3A_208 = arith.constant 48 : i32
        %dma_start3A_209 = arith.constant 0 : i32
        %dma_start3A_210 = tpu.memref_slice %arg4[%dma_start3A_208, %dma_start3A_209] : memref<376x256xf32, #tpu.memory_space<vmem>> -> memref<256x256xf32, #tpu.memory_space<vmem>>
        tpu.enqueue_dma source(%dma_start3A_210 : memref<256x256xf32, #tpu.memory_space<vmem>>) target(%dma_start3A_207 : memref<256x256xf32, #tpu.memory_space<hbm>>) target_semaphore(%run_scoped3A : memref<!tpu.dma_semaphore, #tpu.memory_space<semaphore_mem>>)
        %dma_wait3A = arith.constant 48 : i32
        %dma_wait3A_211 = arith.constant 0 : i32
        %dma_wait3A_212 = tpu.memref_slice %arg4[%dma_wait3A, %dma_wait3A_211] : memref<376x256xf32, #tpu.memory_space<vmem>> -> memref<256x256xf32, #tpu.memory_space<vmem>>
        %dma_wait3A_213 = tpu.memref_slice %arg3[%add3A_159, %mul3A_161] : memref<262144x768xf32, #tpu.memory_space<hbm>> -> memref<256x256xf32, #tpu.memory_space<hbm>>
        %dma_wait3A_214 = tpu.memref_slice %arg3[%add3A_159, %mul3A_161] : memref<262144x768xf32, #tpu.memory_space<hbm>> -> memref<256x256xf32, #tpu.memory_space<hbm>>
        %dma_wait3A_215 = arith.constant 48 : i32
        %dma_wait3A_216 = arith.constant 0 : i32
        %dma_wait3A_217 = tpu.memref_slice %arg4[%dma_wait3A_215, %dma_wait3A_216] : memref<376x256xf32, #tpu.memory_space<vmem>> -> memref<256x256xf32, #tpu.memory_space<vmem>>
        tpu.wait_dma2 semaphore(%run_scoped3A : memref<!tpu.dma_semaphore, #tpu.memory_space<semaphore_mem>>) src(%dma_wait3A_217 : memref<256x256xf32, #tpu.memory_space<vmem>>) dst(%dma_wait3A_214 : memref<256x256xf32, #tpu.memory_space<hbm>>)
        tpu.yield
      }) : () -> ()
      %add3A_162 = arith.constant 80 : i32
      %add3A_163 = arith.addi %add3A_81, %add3A_162 : i32
      %mul3A_164 = arith.constant 512 : i32
      %mul3A_165 = arith.muli %add3A_163, %mul3A_164 : i32
      %add3A_166 = arith.addi %mul3A_165, %mul3A_78 : i32
      %mul3A_167 = arith.constant 256 : i32
      %mul3A_168 = arith.muli %select_n3A_52, %mul3A_167 : i32
      "tpu.region"() ({
        %run_scoped3A = tpu.sem_alloc : memref<!tpu.dma_semaphore, #tpu.memory_space<semaphore_mem>>
        %dma_start3A = arith.constant 40 : i32
        %dma_start3A_204 = arith.constant 0 : i32
        %dma_start3A_205 = tpu.memref_slice %arg4[%dma_start3A, %dma_start3A_204] : memref<376x256xf32, #tpu.memory_space<vmem>> -> memref<256x256xf32, #tpu.memory_space<vmem>>
        %dma_start3A_206 = tpu.memref_slice %arg3[%add3A_166, %mul3A_168] : memref<262144x768xf32, #tpu.memory_space<hbm>> -> memref<256x256xf32, #tpu.memory_space<hbm>>
        %dma_start3A_207 = tpu.memref_slice %arg3[%add3A_166, %mul3A_168] : memref<262144x768xf32, #tpu.memory_space<hbm>> -> memref<256x256xf32, #tpu.memory_space<hbm>>
        %dma_start3A_208 = arith.constant 40 : i32
        %dma_start3A_209 = arith.constant 0 : i32
        %dma_start3A_210 = tpu.memref_slice %arg4[%dma_start3A_208, %dma_start3A_209] : memref<376x256xf32, #tpu.memory_space<vmem>> -> memref<256x256xf32, #tpu.memory_space<vmem>>
        tpu.enqueue_dma source(%dma_start3A_210 : memref<256x256xf32, #tpu.memory_space<vmem>>) target(%dma_start3A_207 : memref<256x256xf32, #tpu.memory_space<hbm>>) target_semaphore(%run_scoped3A : memref<!tpu.dma_semaphore, #tpu.memory_space<semaphore_mem>>)
        %dma_wait3A = arith.constant 40 : i32
        %dma_wait3A_211 = arith.constant 0 : i32
        %dma_wait3A_212 = tpu.memref_slice %arg4[%dma_wait3A, %dma_wait3A_211] : memref<376x256xf32, #tpu.memory_space<vmem>> -> memref<256x256xf32, #tpu.memory_space<vmem>>
        %dma_wait3A_213 = tpu.memref_slice %arg3[%add3A_166, %mul3A_168] : memref<262144x768xf32, #tpu.memory_space<hbm>> -> memref<256x256xf32, #tpu.memory_space<hbm>>
        %dma_wait3A_214 = tpu.memref_slice %arg3[%add3A_166, %mul3A_168] : memref<262144x768xf32, #tpu.memory_space<hbm>> -> memref<256x256xf32, #tpu.memory_space<hbm>>
        %dma_wait3A_215 = arith.constant 40 : i32
        %dma_wait3A_216 = arith.constant 0 : i32
        %dma_wait3A_217 = tpu.memref_slice %arg4[%dma_wait3A_215, %dma_wait3A_216] : memref<376x256xf32, #tpu.memory_space<vmem>> -> memref<256x256xf32, #tpu.memory_space<vmem>>
        tpu.wait_dma2 semaphore(%run_scoped3A : memref<!tpu.dma_semaphore, #tpu.memory_space<semaphore_mem>>) src(%dma_wait3A_217 : memref<256x256xf32, #tpu.memory_space<vmem>>) dst(%dma_wait3A_214 : memref<256x256xf32, #tpu.memory_space<hbm>>)
        tpu.yield
      }) : () -> ()
      %add3A_169 = arith.constant 88 : i32
      %add3A_170 = arith.addi %add3A_81, %add3A_169 : i32
      %mul3A_171 = arith.constant 512 : i32
      %mul3A_172 = arith.muli %add3A_170, %mul3A_171 : i32
      %add3A_173 = arith.addi %mul3A_172, %mul3A_78 : i32
      %mul3A_174 = arith.constant 256 : i32
      %mul3A_175 = arith.muli %select_n3A_52, %mul3A_174 : i32
      "tpu.region"() ({
        %run_scoped3A = tpu.sem_alloc : memref<!tpu.dma_semaphore, #tpu.memory_space<semaphore_mem>>
        %dma_start3A = arith.constant 32 : i32
        %dma_start3A_204 = arith.constant 0 : i32
        %dma_start3A_205 = tpu.memref_slice %arg4[%dma_start3A, %dma_start3A_204] : memref<376x256xf32, #tpu.memory_space<vmem>> -> memref<256x256xf32, #tpu.memory_space<vmem>>
        %dma_start3A_206 = tpu.memref_slice %arg3[%add3A_173, %mul3A_175] : memref<262144x768xf32, #tpu.memory_space<hbm>> -> memref<256x256xf32, #tpu.memory_space<hbm>>
        %dma_start3A_207 = tpu.memref_slice %arg3[%add3A_173, %mul3A_175] : memref<262144x768xf32, #tpu.memory_space<hbm>> -> memref<256x256xf32, #tpu.memory_space<hbm>>
        %dma_start3A_208 = arith.constant 32 : i32
        %dma_start3A_209 = arith.constant 0 : i32
        %dma_start3A_210 = tpu.memref_slice %arg4[%dma_start3A_208, %dma_start3A_209] : memref<376x256xf32, #tpu.memory_space<vmem>> -> memref<256x256xf32, #tpu.memory_space<vmem>>
        tpu.enqueue_dma source(%dma_start3A_210 : memref<256x256xf32, #tpu.memory_space<vmem>>) target(%dma_start3A_207 : memref<256x256xf32, #tpu.memory_space<hbm>>) target_semaphore(%run_scoped3A : memref<!tpu.dma_semaphore, #tpu.memory_space<semaphore_mem>>)
        %dma_wait3A = arith.constant 32 : i32
        %dma_wait3A_211 = arith.constant 0 : i32
        %dma_wait3A_212 = tpu.memref_slice %arg4[%dma_wait3A, %dma_wait3A_211] : memref<376x256xf32, #tpu.memory_space<vmem>> -> memref<256x256xf32, #tpu.memory_space<vmem>>
        %dma_wait3A_213 = tpu.memref_slice %arg3[%add3A_173, %mul3A_175] : memref<262144x768xf32, #tpu.memory_space<hbm>> -> memref<256x256xf32, #tpu.memory_space<hbm>>
        %dma_wait3A_214 = tpu.memref_slice %arg3[%add3A_173, %mul3A_175] : memref<262144x768xf32, #tpu.memory_space<hbm>> -> memref<256x256xf32, #tpu.memory_space<hbm>>
        %dma_wait3A_215 = arith.constant 32 : i32
        %dma_wait3A_216 = arith.constant 0 : i32
        %dma_wait3A_217 = tpu.memref_slice %arg4[%dma_wait3A_215, %dma_wait3A_216] : memref<376x256xf32, #tpu.memory_space<vmem>> -> memref<256x256xf32, #tpu.memory_space<vmem>>
        tpu.wait_dma2 semaphore(%run_scoped3A : memref<!tpu.dma_semaphore, #tpu.memory_space<semaphore_mem>>) src(%dma_wait3A_217 : memref<256x256xf32, #tpu.memory_space<vmem>>) dst(%dma_wait3A_214 : memref<256x256xf32, #tpu.memory_space<hbm>>)
        tpu.yield
      }) : () -> ()
      %add3A_176 = arith.constant 96 : i32
      %add3A_177 = arith.addi %add3A_81, %add3A_176 : i32
      %mul3A_178 = arith.constant 512 : i32
      %mul3A_179 = arith.muli %add3A_177, %mul3A_178 : i32
      %add3A_180 = arith.addi %mul3A_179, %mul3A_78 : i32
      %mul3A_181 = arith.constant 256 : i32
      %mul3A_182 = arith.muli %select_n3A_52, %mul3A_181 : i32
      "tpu.region"() ({
        %run_scoped3A = tpu.sem_alloc : memref<!tpu.dma_semaphore, #tpu.memory_space<semaphore_mem>>
        %dma_start3A = arith.constant 24 : i32
        %dma_start3A_204 = arith.constant 0 : i32
        %dma_start3A_205 = tpu.memref_slice %arg4[%dma_start3A, %dma_start3A_204] : memref<376x256xf32, #tpu.memory_space<vmem>> -> memref<256x256xf32, #tpu.memory_space<vmem>>
        %dma_start3A_206 = tpu.memref_slice %arg3[%add3A_180, %mul3A_182] : memref<262144x768xf32, #tpu.memory_space<hbm>> -> memref<256x256xf32, #tpu.memory_space<hbm>>
        %dma_start3A_207 = tpu.memref_slice %arg3[%add3A_180, %mul3A_182] : memref<262144x768xf32, #tpu.memory_space<hbm>> -> memref<256x256xf32, #tpu.memory_space<hbm>>
        %dma_start3A_208 = arith.constant 24 : i32
        %dma_start3A_209 = arith.constant 0 : i32
        %dma_start3A_210 = tpu.memref_slice %arg4[%dma_start3A_208, %dma_start3A_209] : memref<376x256xf32, #tpu.memory_space<vmem>> -> memref<256x256xf32, #tpu.memory_space<vmem>>
        tpu.enqueue_dma source(%dma_start3A_210 : memref<256x256xf32, #tpu.memory_space<vmem>>) target(%dma_start3A_207 : memref<256x256xf32, #tpu.memory_space<hbm>>) target_semaphore(%run_scoped3A : memref<!tpu.dma_semaphore, #tpu.memory_space<semaphore_mem>>)
        %dma_wait3A = arith.constant 24 : i32
        %dma_wait3A_211 = arith.constant 0 : i32
        %dma_wait3A_212 = tpu.memref_slice %arg4[%dma_wait3A, %dma_wait3A_211] : memref<376x256xf32, #tpu.memory_space<vmem>> -> memref<256x256xf32, #tpu.memory_space<vmem>>
        %dma_wait3A_213 = tpu.memref_slice %arg3[%add3A_180, %mul3A_182] : memref<262144x768xf32, #tpu.memory_space<hbm>> -> memref<256x256xf32, #tpu.memory_space<hbm>>
        %dma_wait3A_214 = tpu.memref_slice %arg3[%add3A_180, %mul3A_182] : memref<262144x768xf32, #tpu.memory_space<hbm>> -> memref<256x256xf32, #tpu.memory_space<hbm>>
        %dma_wait3A_215 = arith.constant 24 : i32
        %dma_wait3A_216 = arith.constant 0 : i32
        %dma_wait3A_217 = tpu.memref_slice %arg4[%dma_wait3A_215, %dma_wait3A_216] : memref<376x256xf32, #tpu.memory_space<vmem>> -> memref<256x256xf32, #tpu.memory_space<vmem>>
        tpu.wait_dma2 semaphore(%run_scoped3A : memref<!tpu.dma_semaphore, #tpu.memory_space<semaphore_mem>>) src(%dma_wait3A_217 : memref<256x256xf32, #tpu.memory_space<vmem>>) dst(%dma_wait3A_214 : memref<256x256xf32, #tpu.memory_space<hbm>>)
        tpu.yield
      }) : () -> ()
      %add3A_183 = arith.constant 104 : i32
      %add3A_184 = arith.addi %add3A_81, %add3A_183 : i32
      %mul3A_185 = arith.constant 512 : i32
      %mul3A_186 = arith.muli %add3A_184, %mul3A_185 : i32
      %add3A_187 = arith.addi %mul3A_186, %mul3A_78 : i32
      %mul3A_188 = arith.constant 256 : i32
      %mul3A_189 = arith.muli %select_n3A_52, %mul3A_188 : i32
      "tpu.region"() ({
        %run_scoped3A = tpu.sem_alloc : memref<!tpu.dma_semaphore, #tpu.memory_space<semaphore_mem>>
        %dma_start3A = arith.constant 16 : i32
        %dma_start3A_204 = arith.constant 0 : i32
        %dma_start3A_205 = tpu.memref_slice %arg4[%dma_start3A, %dma_start3A_204] : memref<376x256xf32, #tpu.memory_space<vmem>> -> memref<256x256xf32, #tpu.memory_space<vmem>>
        %dma_start3A_206 = tpu.memref_slice %arg3[%add3A_187, %mul3A_189] : memref<262144x768xf32, #tpu.memory_space<hbm>> -> memref<256x256xf32, #tpu.memory_space<hbm>>
        %dma_start3A_207 = tpu.memref_slice %arg3[%add3A_187, %mul3A_189] : memref<262144x768xf32, #tpu.memory_space<hbm>> -> memref<256x256xf32, #tpu.memory_space<hbm>>
        %dma_start3A_208 = arith.constant 16 : i32
        %dma_start3A_209 = arith.constant 0 : i32
        %dma_start3A_210 = tpu.memref_slice %arg4[%dma_start3A_208, %dma_start3A_209] : memref<376x256xf32, #tpu.memory_space<vmem>> -> memref<256x256xf32, #tpu.memory_space<vmem>>
        tpu.enqueue_dma source(%dma_start3A_210 : memref<256x256xf32, #tpu.memory_space<vmem>>) target(%dma_start3A_207 : memref<256x256xf32, #tpu.memory_space<hbm>>) target_semaphore(%run_scoped3A : memref<!tpu.dma_semaphore, #tpu.memory_space<semaphore_mem>>)
        %dma_wait3A = arith.constant 16 : i32
        %dma_wait3A_211 = arith.constant 0 : i32
        %dma_wait3A_212 = tpu.memref_slice %arg4[%dma_wait3A, %dma_wait3A_211] : memref<376x256xf32, #tpu.memory_space<vmem>> -> memref<256x256xf32, #tpu.memory_space<vmem>>
        %dma_wait3A_213 = tpu.memref_slice %arg3[%add3A_187, %mul3A_189] : memref<262144x768xf32, #tpu.memory_space<hbm>> -> memref<256x256xf32, #tpu.memory_space<hbm>>
        %dma_wait3A_214 = tpu.memref_slice %arg3[%add3A_187, %mul3A_189] : memref<262144x768xf32, #tpu.memory_space<hbm>> -> memref<256x256xf32, #tpu.memory_space<hbm>>
        %dma_wait3A_215 = arith.constant 16 : i32
        %dma_wait3A_216 = arith.constant 0 : i32
        %dma_wait3A_217 = tpu.memref_slice %arg4[%dma_wait3A_215, %dma_wait3A_216] : memref<376x256xf32, #tpu.memory_space<vmem>> -> memref<256x256xf32, #tpu.memory_space<vmem>>
        tpu.wait_dma2 semaphore(%run_scoped3A : memref<!tpu.dma_semaphore, #tpu.memory_space<semaphore_mem>>) src(%dma_wait3A_217 : memref<256x256xf32, #tpu.memory_space<vmem>>) dst(%dma_wait3A_214 : memref<256x256xf32, #tpu.memory_space<hbm>>)
        tpu.yield
      }) : () -> ()
      %add3A_190 = arith.constant 112 : i32
      %add3A_191 = arith.addi %add3A_81, %add3A_190 : i32
      %mul3A_192 = arith.constant 512 : i32
      %mul3A_193 = arith.muli %add3A_191, %mul3A_192 : i32
      %add3A_194 = arith.addi %mul3A_193, %mul3A_78 : i32
      %mul3A_195 = arith.constant 256 : i32
      %mul3A_196 = arith.muli %select_n3A_52, %mul3A_195 : i32
      "tpu.region"() ({
        %run_scoped3A = tpu.sem_alloc : memref<!tpu.dma_semaphore, #tpu.memory_space<semaphore_mem>>
        %dma_start3A = arith.constant 8 : i32
        %dma_start3A_204 = arith.constant 0 : i32
        %dma_start3A_205 = tpu.memref_slice %arg4[%dma_start3A, %dma_start3A_204] : memref<376x256xf32, #tpu.memory_space<vmem>> -> memref<256x256xf32, #tpu.memory_space<vmem>>
        %dma_start3A_206 = tpu.memref_slice %arg3[%add3A_194, %mul3A_196] : memref<262144x768xf32, #tpu.memory_space<hbm>> -> memref<256x256xf32, #tpu.memory_space<hbm>>
        %dma_start3A_207 = tpu.memref_slice %arg3[%add3A_194, %mul3A_196] : memref<262144x768xf32, #tpu.memory_space<hbm>> -> memref<256x256xf32, #tpu.memory_space<hbm>>
        %dma_start3A_208 = arith.constant 8 : i32
        %dma_start3A_209 = arith.constant 0 : i32
        %dma_start3A_210 = tpu.memref_slice %arg4[%dma_start3A_208, %dma_start3A_209] : memref<376x256xf32, #tpu.memory_space<vmem>> -> memref<256x256xf32, #tpu.memory_space<vmem>>
        tpu.enqueue_dma source(%dma_start3A_210 : memref<256x256xf32, #tpu.memory_space<vmem>>) target(%dma_start3A_207 : memref<256x256xf32, #tpu.memory_space<hbm>>) target_semaphore(%run_scoped3A : memref<!tpu.dma_semaphore, #tpu.memory_space<semaphore_mem>>)
        %dma_wait3A = arith.constant 8 : i32
        %dma_wait3A_211 = arith.constant 0 : i32
        %dma_wait3A_212 = tpu.memref_slice %arg4[%dma_wait3A, %dma_wait3A_211] : memref<376x256xf32, #tpu.memory_space<vmem>> -> memref<256x256xf32, #tpu.memory_space<vmem>>
        %dma_wait3A_213 = tpu.memref_slice %arg3[%add3A_194, %mul3A_196] : memref<262144x768xf32, #tpu.memory_space<hbm>> -> memref<256x256xf32, #tpu.memory_space<hbm>>
        %dma_wait3A_214 = tpu.memref_slice %arg3[%add3A_194, %mul3A_196] : memref<262144x768xf32, #tpu.memory_space<hbm>> -> memref<256x256xf32, #tpu.memory_space<hbm>>
        %dma_wait3A_215 = arith.constant 8 : i32
        %dma_wait3A_216 = arith.constant 0 : i32
        %dma_wait3A_217 = tpu.memref_slice %arg4[%dma_wait3A_215, %dma_wait3A_216] : memref<376x256xf32, #tpu.memory_space<vmem>> -> memref<256x256xf32, #tpu.memory_space<vmem>>
        tpu.wait_dma2 semaphore(%run_scoped3A : memref<!tpu.dma_semaphore, #tpu.memory_space<semaphore_mem>>) src(%dma_wait3A_217 : memref<256x256xf32, #tpu.memory_space<vmem>>) dst(%dma_wait3A_214 : memref<256x256xf32, #tpu.memory_space<hbm>>)
        tpu.yield
      }) : () -> ()
      %add3A_197 = arith.constant 120 : i32
      %add3A_198 = arith.addi %add3A_81, %add3A_197 : i32
      %mul3A_199 = arith.constant 512 : i32
      %mul3A_200 = arith.muli %add3A_198, %mul3A_199 : i32
      %add3A_201 = arith.addi %mul3A_200, %mul3A_78 : i32
      %mul3A_202 = arith.constant 256 : i32
      %mul3A_203 = arith.muli %select_n3A_52, %mul3A_202 : i32
      "tpu.region"() ({
        %run_scoped3A = tpu.sem_alloc : memref<!tpu.dma_semaphore, #tpu.memory_space<semaphore_mem>>
        %dma_start3A = arith.constant 0 : i32
        %dma_start3A_204 = arith.constant 0 : i32
        %dma_start3A_205 = tpu.memref_slice %arg4[%dma_start3A, %dma_start3A_204] : memref<376x256xf32, #tpu.memory_space<vmem>> -> memref<256x256xf32, #tpu.memory_space<vmem>>
        %dma_start3A_206 = tpu.memref_slice %arg3[%add3A_201, %mul3A_203] : memref<262144x768xf32, #tpu.memory_space<hbm>> -> memref<256x256xf32, #tpu.memory_space<hbm>>
        %dma_start3A_207 = tpu.memref_slice %arg3[%add3A_201, %mul3A_203] : memref<262144x768xf32, #tpu.memory_space<hbm>> -> memref<256x256xf32, #tpu.memory_space<hbm>>
        %dma_start3A_208 = arith.constant 0 : i32
        %dma_start3A_209 = arith.constant 0 : i32
        %dma_start3A_210 = tpu.memref_slice %arg4[%dma_start3A_208, %dma_start3A_209] : memref<376x256xf32, #tpu.memory_space<vmem>> -> memref<256x256xf32, #tpu.memory_space<vmem>>
        tpu.enqueue_dma source(%dma_start3A_210 : memref<256x256xf32, #tpu.memory_space<vmem>>) target(%dma_start3A_207 : memref<256x256xf32, #tpu.memory_space<hbm>>) target_semaphore(%run_scoped3A : memref<!tpu.dma_semaphore, #tpu.memory_space<semaphore_mem>>)
        %dma_wait3A = arith.constant 0 : i32
        %dma_wait3A_211 = arith.constant 0 : i32
        %dma_wait3A_212 = tpu.memref_slice %arg4[%dma_wait3A, %dma_wait3A_211] : memref<376x256xf32, #tpu.memory_space<vmem>> -> memref<256x256xf32, #tpu.memory_space<vmem>>
        %dma_wait3A_213 = tpu.memref_slice %arg3[%add3A_201, %mul3A_203] : memref<262144x768xf32, #tpu.memory_space<hbm>> -> memref<256x256xf32, #tpu.memory_space<hbm>>
        %dma_wait3A_214 = tpu.memref_slice %arg3[%add3A_201, %mul3A_203] : memref<262144x768xf32, #tpu.memory_space<hbm>> -> memref<256x256xf32, #tpu.memory_space<hbm>>
        %dma_wait3A_215 = arith.constant 0 : i32
        %dma_wait3A_216 = arith.constant 0 : i32
        %dma_wait3A_217 = tpu.memref_slice %arg4[%dma_wait3A_215, %dma_wait3A_216] : memref<376x256xf32, #tpu.memory_space<vmem>> -> memref<256x256xf32, #tpu.memory_space<vmem>>
        tpu.wait_dma2 semaphore(%run_scoped3A : memref<!tpu.dma_semaphore, #tpu.memory_space<semaphore_mem>>) src(%dma_wait3A_217 : memref<256x256xf32, #tpu.memory_space<vmem>>) dst(%dma_wait3A_214 : memref<256x256xf32, #tpu.memory_space<hbm>>)
        tpu.yield
      }) : () -> ()
    }
    %scan3A_35 = arith.constant 6 : i32
    return
  }
}

</mosaic_0001>

<sc_bundles>
// kernel: kernel.3.cloned.1.call-start
scs
__scs_entry_jumppad:
0x0: {  	(pc) =	sbr.rel $0x88, $3  }
0x1: {  	(tag) =	ssettag $0x0;
	lr =	simm.s32 $0x1  }
0x2: {  	[smem:$0x3FA0] =	sst lr;
	_ =	strace $0xD0000000  }
0x3: {  	_ = 	snop  }
0x4: {  	_ = 	snop  }
0x5: {  	_ = 	snop  }
0x6: {  	_ = 	snop  }
0x7: {  	_ = 	snop  }
__scs_overlays_trampoline_lowered:
0x8: {  	[smem:$0x3FAF] =	sst s0  }
0x9: {  	[smem:$0x3FB0] =	sst s1  }
0xa: {  	[smem:$0x3FB1] =	sst s2  }
0xb: {  	[smem:$0x3FB2] =	sst s3  }
0xc: {  	[smem:$0x3FB3] =	sst s4  }
0xd: {  	[smem:$0x3FB4] =	sst s5  }
0xe: {  	[smem:$0x3FB5] =	sst s6  }
0xf: {  	[smem:$0x3FB6] =	sst s7  }
0x10: {  	[smem:$0x3FB7] =	sst s8  }
0x11: {  	[smem:$0x3FB8] =	sst s9;
	s0 =	simm.s32 @!p0 $0x0  }
0x12: {  	s1 =	sld [smem:$0x3F9E];
	s0 =	simm.s32 @p0 $0x1  }
0x13: {  	[smem:$0x3FB9] =	sst s0;
	s0 =	simm.s32 @!p1 $0x0  }
0x14: {  	s2 =	sld [smem:$0x3F9D];
	s0 =	simm.s32 @p1 $0x1  }
0x15: {  	[smem:$0x3FBA] =	sst s0;
	s0 =	simm.s32 @!p2 $0x0  }
0x16: {  	s3 =	sld [smem:$0x3FDB];
	s0 =	simm.s32 @p2 $0x1  }
0x17: {  	s4 =	simm.s32 $0x1BF5;
	[smem:$0x3FBC] =	sst s0  }
0x18: {  	s0 =	sld [smem:$0x3F9F];
	_ =	swait.ge [sflag:s4], $0x0  }
0x19: {  	s7 =	sld [smem:$0x3FA0]  }
0x1a: {  	s8 =	sadd.s32 $0xFFFFE003, lr  }
0x1b: {  	s9 =	sadd.s32 $0xFFFFFEF7, lr;
	s5 =	simm.s32 $0xFFFFFFFF;
	p2 =	slt.u32 s8, $0xFFFFF086  }
0x1c: {  	p1 =	slt.u32 s9, $0xF7A;
	s5 =	simm.s32 @!p2 $0x0  }
0x1d: {  	s5 =	simm.s32 @p1 $0x1;
	p0 =	seq.s32 s7, s2  }
0x1e: {  	s7 =	smul.u32 @!p0 $0xF7A, s2;
	p2 =	seq.s32 @!p0 s5, $0x0  }
0x1f: {  	s9 =	smul.u32 $0xF7A, s1;
	s8 =	simm.s32 @!p0 $0x1BF5;
	p2 =	por !p2, p0  }
0x20: {  	[sflag:s8] =	ssyncset.s32 @!p0 $0xFFFFF086;
	s6 =	sadd.s32 @!p0 s3, s7;
	s7 =	simm.s32 @!p0 $0x108  }
0x21: {  	s3 =	sadd.s32 s3, s9;
	s6 =	sadd.s32 @!p0 $0x88, s6;
	s7 =	simm.s32 @p2 $0x1082  }
0x22: {  	[simem:s7], [sflag:s8] =	dma.local @!p0 [hbm:s6], $0xF7A  }
0x23: {  	s9 =	sor.u32 $0xD0000000, s2;
	s6 =	simm.s32 $0x108;
	_ =	swait.ge @!p0 [sflag:s8], $0x0  }
0x24: {  	s3 =	sadd.s32 $0x88, s3;
	s6 =	simm.s32 @!p1 $0x1082;
	[sflag:s4] =	ssyncset.s32 $0xFFFFF086  }
0x25: {  	[simem:s6], [sflag:s4] =	dma.local [hbm:s3], $0xF7A  }
0x26: {  	[smem:$0x3FA0] =	sst s1;
	(tag) =	ssettag s2;
	_ =	strace s9  }
0x27: {  	s1 =	sld [smem:$0x3FB0]  }
0x28: {  	s2 =	sld [smem:$0x3FB1]  }
0x29: {  	s4 =	sld [smem:$0x3FB3]  }
0x2a: {  	p0 =	seq.s32 s5, $0x0;
	s5 =	sld [smem:$0x3FB4]  }
0x2b: {  	s6 =	sld [smem:$0x3FB5]  }
0x2c: {  	s7 =	sld [smem:$0x3FB6]  }
0x2d: {  	s3 =	simm.s32 $0x108;
	s8 =	sld [smem:$0x3FB7]  }
0x2e: {  	s3 =	simm.s32 @!p0 $0x1082;
	s9 =	sld [smem:$0x3FB8]  }
0x2f: {  	lr =	sadd.s32 s0, s3;
	s0 =	sld [smem:$0x3FAF]  }
0x30: {  	s3 =	sld [smem:$0x3FB2]  }
0x31: {  	[smem:$0x3FBB] =	sst s10  }
0x32: {  	s10 =	sld [smem:$0x3FB9];
	_ =	sdelay $0x3  }
0x33: {  	p0 =	seq.s32 s10, $0x1;
	s10 =	sld [smem:$0x3FBB];
	_ =	sdelay $0x3  }
0x34: {  	[smem:$0x3FBB] =	sst s10  }
0x35: {  	s10 =	sld [smem:$0x3FBA];
	_ =	sdelay $0x3  }
0x36: {  	p1 =	seq.s32 s10, $0x1;
	s10 =	sld [smem:$0x3FBB];
	_ =	sdelay $0x3  }
0x37: {  	[smem:$0x3FBB] =	sst s10  }
0x38: {  	s10 =	sld [smem:$0x3FBC]  }
0x39: {  	_ = 	snop;
	(pc) =	sbr.ind lr, $3  }
0x3a: {  	_ = 	snop  }
0x3b: {  	_ = 	snop  }
0x3c: {  	p2 =	seq.s32 s10, $0x1;
	s10 =	sld [smem:$0x3FBB]  }
0x3d: {  	_ =	shalt  }
0x3e: {  	_ =	shalt  }
0x3f: {  	_ =	shalt  }
0x40: {  	_ =	shalt  }
0x41: {  	_ =	shalt  }
0x42: {  	_ =	shalt  }
0x43: {  	_ =	shalt  }
0x44: {  	_ =	shalt  }
0x45: {  	_ =	shalt  }
0x46: {  	_ =	shalt  }
0x47: {  	_ =	shalt  }
0x48: {  	_ =	shalt  }
0x49: {  	_ =	shalt  }
0x4a: {  	_ =	shalt  }
0x4b: {  	_ =	shalt  }
0x4c: {  	_ =	shalt  }
0x4d: {  	_ =	shalt  }
0x4e: {  	_ =	shalt  }
0x4f: {  	_ =	shalt  }
0x50: {  	_ =	shalt  }
0x51: {  	_ =	shalt  }
0x52: {  	_ =	shalt  }
0x53: {  	_ =	shalt  }
0x54: {  	_ =	shalt  }
0x55: {  	_ =	shalt  }
0x56: {  	_ =	shalt  }
0x57: {  	_ =	shalt  }
0x58: {  	_ =	shalt  }
0x59: {  	_ =	shalt  }
0x5a: {  	_ =	shalt  }
0x5b: {  	_ =	shalt  }
0x5c: {  	_ =	shalt  }
0x5d: {  	_ =	shalt  }
0x5e: {  	_ =	shalt  }
0x5f: {  	_ =	shalt  }
0x60: {  	_ =	shalt  }
0x61: {  	_ =	shalt  }
0x62: {  	_ =	shalt  }
0x63: {  	_ =	shalt  }
0x64: {  	_ =	shalt  }
0x65: {  	_ =	shalt  }
0x66: {  	_ =	shalt  }
0x67: {  	_ =	shalt  }
0x68: {  	_ =	shalt  }
0x69: {  	_ =	shalt  }
0x6a: {  	_ =	shalt  }
0x6b: {  	_ =	shalt  }
0x6c: {  	_ =	shalt  }
0x6d: {  	_ =	shalt  }
0x6e: {  	_ =	shalt  }
0x6f: {  	_ =	shalt  }
0x70: {  	_ =	shalt  }
0x71: {  	_ =	shalt  }
0x72: {  	_ =	shalt  }
0x73: {  	_ =	shalt  }
0x74: {  	_ =	shalt  }
0x75: {  	_ =	shalt  }
0x76: {  	_ =	shalt  }
0x77: {  	_ =	shalt  }
0x78: {  	_ =	shalt  }
0x79: {  	_ =	shalt  }
0x7a: {  	_ =	shalt  }
0x7b: {  	_ =	shalt  }
0x7c: {  	_ =	shalt  }
0x7d: {  	_ =	shalt  }
0x7e: {  	_ =	shalt  }
0x7f: {  	_ =	shalt  }
0x80: {  	_ =	shalt  }
0x81: {  	_ =	shalt  }
0x82: {  	_ =	shalt  }
0x83: {  	_ =	shalt  }
0x84: {  	_ =	shalt  }
0x85: {  	_ =	shalt  }
0x86: {  	_ =	shalt  }
0x87: {  	_ =	shalt  }
.Lfunc_end0:
.L_simem_size_0:
called_computation_lowered:
.L_overlay_start_0:
0x88: {  	s2 =	sld [smem:$0x3FD9]  }
0x89: {  	s3 =	sld [smem:$0x3FFE];
	_ =	sdelay $0x1  }
0x8a: {  	s1 =	srdreg.scid  }
0x8b: {  	s0 =	sand.u32 $0x1, s1  }
0x8c: {  	s17 =	sshll.u32 s0, $0xA;
	s2 =	sadd.s32 s3, s2  }
0x8d: {  	s2 =	sadd.s32 s2, s17  }
0x8e: {  	[smem:$0x3FC7] =	sst s2  }
0x8f: {  	_ = 	snop  }
0x90: {  	s2 =	sld [smem:$0x3FD0];
	(tm) =	ssettm $0x1  }
0x91: {  	s18 =	sld [smem:$0x3FFB];
	_ =	sdelay $0x3  }
0x92: {  	_ =	strace s18  }
0x93: {  	s3 =	sld [smem:$0x3FFC];
	_ =	sdelay $0x3  }
0x94: {  	_ =	strace s3  }
0x95: {  	s3 =	sld [smem:$0x3FFD];
	_ =	sdelay $0x3  }
0x96: {  	_ =	strace s3  }
0x97: {  	_ =	strace $0x8FFFFFFF  }
0x98: {  	s19 =	sld [smem:$0x3FDB];
	_ =	sdelay $0x1  }
0x99: {  	s4 =	simm.s32 $_scs_section_size  }
0x9a: {  	s5 =	simm.s32 $_size__tile_overlayer_lowered;
	s6 =	simm.s32 $_tile_overlayer_lowered  }
0x9b: {  	s22 =	simm.s32 $0x1BFF;
	s21 =	sshll.u32 s6, $0x1;
	s3 =	sadd.s32 s4, s19  }
0x9c: {  	s7 =	simm.s32 $0x0;
	s20 =	sshll.u32 s5, $0x1;
	s5 =	sadd.s32 s21, s3  }
0x9d: {  	[timem:s7], [sflag:s22] =	dma.local [hbm:s5], s20  }
0x9e: {  	_ =	swait.ge [sflag:s22], s20  }
0x9f: {  	s4 =	ssub.s32 $0x0, s20;
	[sflag:s22] =	ssyncset.done $0x0  }
0xa0: {  	[sflag:s22] =	ssyncadd.s32 s4;
	_ =	sdelay $0x1  }
0xa1: {  	s23 =	simm.s32 $0x1B8B  }
0xa2: {  	_ =	swait.ge [sflag:s23], $0x1  }
0xa3: {  	[sflag:s23] =	ssyncset.done $0x0  }
0xa4: {  	s25 =	simm.s32 $0x1B8E;
	s24 =	sld [smem:$0x3FFE];
	[sflag:s23] =	ssyncadd.s32 $0xFFFFFFFF  }
0xa5: {  	s26 =	simm.s32 $execute0_lowered;
	[smem:$0x3FD2] =	sst s25  }
0xa6: {  	s5 =	sshll.u32 s26, $0x1;
	_ =	strace $0x80000046;
	[dreg:$0x1] =	wrdreg $0xFFFFFFFF  }
0xa7: {  	s28 =	simm.s32 $_size_execute0_lowered;
	s3 =	sadd.s32 s3, s5;
	[dreg:$0x0] =	wrdreg $0x0  }
0xa8: {  	s5 =	sshll.u32 s28, $0x1;
	[dreg:$0x2] =	wrdreg s3  }
0xa9: {  	[dreg:$0x3] =	wrdreg s5  }
0xaa: {  	[dreg:$0x4] =	wrdreg $0xC0  }
0xab: {  	_ =	task [dreg:s7], $0x5FFFF  }
0xac: {  	[dreg:$0x1] =	wrdreg $0xFFFFFFFF  }
0xad: {  	[dreg:$0x0] =	wrdreg $0x60  }
0xae: {  	[dreg:$0x2] =	wrdreg s24  }
0xaf: {  	[dreg:$0x3] =	wrdreg s2  }
0xb0: {  	[dreg:$0x4] =	wrdreg $0x9  }
0xb1: {  	_ =	task.clear_ibuf [dreg:s7], $0x5FFFF;
	_ =	strace $0x90000046  }
0xb2: {  	s29 =	simm.s32 $0x9;
	_ =	strace $0x80000048  }
0xb3: {  	_ =	swait.ge [sflag:s29], $0x1  }
0xb4: {  	[sflag:s29] =	ssyncadd.s32 $0xFFFFFFFF  }
0xb5: {  	_ =	strace $0x90000048  }
0xb6: {  	_ =	sfence  }
0xb7: {  	s30 =	sld [smem:$0x0];
	_ =	sdelay $0x2  }
0xb8: {  	s31 =	sshll.u32 s1, $0xD;
	s1 =	sshrl.u32 s1, $0x2  }
0xb9: {  	s3 =	sand.u32 $0x4000, s31;
	s1 =	sadd.s32 s1, s30  }
0xba: {  	s0 =	sor.u32 s3, s0;
	s1 =	sshll.u32 s1, $0x11  }
0xbb: {  	s0 =	sor.u32 s1, s0  }
0xbc: {  	s0 =	sadd.s32 $0x8F2B, s0  }
0xbd: {  	[sflag:s0] =	ssyncadd.remote.s32 $0x1  }
0xbe: {  	_ =	sfence.sel $0xFFFF  }
0xbf: {  	[dreg:$0x0] =	wrdreg $0xFFFFFFFF;
	(pc) =	sbr.abs _section_cstart, $3  }
0xc0: {  	[dreg:$0x1] =	wrdreg $0xFFFFFFFF  }
0xc1: {  	_ =	task.clear_ibuf [dreg:s7], $0x2FFFF;
	_ =	strace $0x9FFFFFFF  }
0xc2: {  	(tm) =	ssettm $0x7FFFFFFF  }
0xc3: {  	_ =	shalt  }
tec
execute0_lowered:
.L_overlay_start_1:
0x0: {  	(tag) =	ssettag $0x1  }
0x1: {  	s1 =	rddreg [dreg:$0x0]  }
0x2: {  	s15 =	rddreg [dreg:$0x1]  }
0x3: {  	[dreg:$0x3] =	wrdreg s1  }
0x4: {  	s2 =	srdreg.scid;
	[dreg:$0x4] =	wrdreg s15  }
0x5: {  	s4 =	sand.u32 $0x1, s2;
	s1 =	rddreg [dreg:$0x2];
	s2 =	simm.s32 $0x0  }
0x6: {  	s17 =	simm.s32 $0x100;
	[smem:$0x7FF] =	sst s2  }
0x7: {  	s18 =	simm.s32 $0x7800;
	_ =	strace $0x80000047;
	[dreg:$0x7] =	wrdreg s17  }
0x8: {  	s19 =	simm.s32 $0x7000;
	[dreg:$0x8] =	wrdreg s18  }
0x9: {  	s20 =	simm.s32 $0x6800;
	[dreg:$0x9] =	wrdreg s19  }
0xa: {  	s21 =	simm.s32 $0x6000;
	[dreg:$0xa] =	wrdreg s20  }
0xb: {  	s22 =	simm.s32 $0x5800;
	[dreg:$0xb] =	wrdreg s21  }
0xc: {  	s23 =	simm.s32 $0x5000;
	[dreg:$0xc] =	wrdreg s22  }
0xd: {  	s0 =	stileid.u32;
	s24 =	simm.s32 $0x4800;
	[dreg:$0xd] =	wrdreg s23  }
0xe: {  	s25 =	simm.s32 $0x4000;
	s28 =	simm.s32 $0x3800;
	[dreg:$0xe] =	wrdreg s24  }
0xf: {  	s29 =	simm.s32 $0x3000;
	s30 =	simm.s32 $0x2800;
	[dreg:$0xf] =	wrdreg s25  }
0x10: {  	s31 =	simm.s32 $0x2000;
	s7 =	simm.s32 $0x1000;
	[dreg:$0x10] =	wrdreg s28  }
0x11: {  	s3 =	sshll.u32 s0, $0x1;
	s5 =	sshll.u32 s0, $0x5;
	[dreg:$0x11] =	wrdreg s29  }
0x12: {  	s14 =	sand.u32 $0x6, s3;
	s5 =	sand.u32 $0x180, s5;
	[dreg:$0x12] =	wrdreg s30  }
0x13: {  	s3 =	sor.u32 s4, s14;
	s4 =	ssub.s32 $0x2, s4;
	[dreg:$0x13] =	wrdreg s31  }
0x14: {  	[dreg:$0x14] =	wrdreg s7;
	s6 =	smul.u32 $0x408, s3;
	s3 =	sor.u32 s5, s3  }
0x15: {  	s7 =	simm.s32 $0x0;
	s26 =	sshrl.u32 s4, $0x1;
	s3 =	sshll.u32 s3, $0x9  }
0x16: {  	s4 =	ssub.s32 s4, s26;
	s6 =	ssub.s32 s6, s5;
	[dreg:$0x6] =	wrdreg s3  }
0x17: {  	s3 =	smax.u32 s4, $0x1;
	s4 =	simm.s32 $0x800;
	s16 =	sadd.s32 $0x188, s6  }
0x18: {  	s5 =	simm.s32 $0x1800;
	s6 =	simm.s32 $0x1;
	[dreg:$0x5] =	wrdreg s16  }
.LBB2_1:
0x19: {  	s8 =	rddreg [dreg:$0x7];
	p0 =	por $0x0, $0x0  }
0x1a: {  	s9 =	rddreg [dreg:$0x5];
	s8 =	simm.s32 @!p0 $0x0  }
0x1b: {  	s9 =	sadd.s32 s8, s9  }
0x1c: {  	s9 =	sshrl.u32 s9, $0x3  }
0x1d: {  	s10 =	simm.s32 $0xFFFFE800;
	p0 =	por $0x1, $0x1;
	s9 =	smul.u32 $0x1800, s9  }
0x1e: {  	s10 =	smov.u32 @p0 s2  }
0x1f: {  	s9 =	sadd.s32 s10, s9  }
0x20: {  	s11 =	rddreg [dreg:$0x3];
	s9 =	sshrl.u32 s9, $0x3  }
0x21: {  	s9 =	sadd.s32 s11, s9  }
0x22: {  	[tilespmem:s2], [sflag:$0x1] =	stream.strided.gather [hbm4b:s9+s4], $0x17800, s5, s4, $0x38;
	[tilespmem:$0x17800] =	vst v63  }
0x23: {  	_ =	swait.ge [sflag:s6], $0x17800  }
0x24: {  	s22 =	rddreg [dreg:$0x6]  }
0x25: {  	s8 =	sor.u32 s22, s8  }
0x26: {  	s8 =	sshrl.u32 s8, $0x3  }
0x27: {  	s8 =	smul.u32 $0x1800, s8;
	_ =	sdelay $0x1  }
0x28: {  	s8 =	sadd.s32 s10, s8  }
0x29: {  	s23 =	rddreg [dreg:$0x4];
	[sflag:s6] =	ssyncset.done $0x0;
	s8 =	sshrl.u32 s8, $0x3  }
0x2a: {  	s24 =	rddreg [dreg:$0x8];
	[sflag:s6] =	ssyncadd.s32 $0xFFFE8800;
	s8 =	sadd.s32 s23, s8  }
0x2b: {  	[hbm4b:s8+s4] =	stream.strided.scatter [tilespmem:s24], [sflag:$0x1], $0x10000, s5, s4, $0x38;
	[tilespmem:$0x17800] =	vst v63  }
0x2c: {  	_ =	swait.ge [sflag:s6], $0x10000  }
0x2d: {  	[sflag:s6] =	ssyncset.done $0x0  }
0x2e: {  	s26 =	sadd.s32 $0x60000, s8;
	s25 =	rddreg [dreg:$0x9];
	[sflag:s6] =	ssyncadd.s32 $0xFFFF0000  }
0x2f: {  	[hbm4b:s26+s4] =	stream.strided.scatter [tilespmem:s25], [sflag:$0x1], $0x10000, s5, s4, $0x38;
	[tilespmem:$0x17800] =	vst v63  }
0x30: {  	_ =	swait.ge [sflag:s6], $0x10000  }
0x31: {  	[sflag:s6] =	ssyncset.done $0x0  }
0x32: {  	s29 =	sadd.s32 $0xC0000, s8;
	s28 =	rddreg [dreg:$0xa];
	[sflag:s6] =	ssyncadd.s32 $0xFFFF0000  }
0x33: {  	[hbm4b:s29+s4] =	stream.strided.scatter [tilespmem:s28], [sflag:$0x1], $0x10000, s5, s4, $0x38;
	[tilespmem:$0x17800] =	vst v63  }
0x34: {  	_ =	swait.ge [sflag:s6], $0x10000  }
0x35: {  	[sflag:s6] =	ssyncset.done $0x0  }
0x36: {  	s31 =	sadd.s32 $0x120000, s8;
	s30 =	rddreg [dreg:$0xb];
	[sflag:s6] =	ssyncadd.s32 $0xFFFF0000  }
0x37: {  	[hbm4b:s31+s4] =	stream.strided.scatter [tilespmem:s30], [sflag:$0x1], $0x10000, s5, s4, $0x38;
	[tilespmem:$0x17800] =	vst v63  }
0x38: {  	_ =	swait.ge [sflag:s6], $0x10000  }
0x39: {  	[sflag:s6] =	ssyncset.done $0x0  }
0x3a: {  	s12 =	sadd.s32 $0x180000, s8;
	s11 =	rddreg [dreg:$0xc];
	[sflag:s6] =	ssyncadd.s32 $0xFFFF0000  }
0x3b: {  	[hbm4b:s12+s4] =	stream.strided.scatter [tilespmem:s11], [sflag:$0x1], $0x10000, s5, s4, $0x38;
	[tilespmem:$0x17800] =	vst v63  }
0x3c: {  	_ =	swait.ge [sflag:s6], $0x10000  }
0x3d: {  	[sflag:s6] =	ssyncset.done $0x0  }
0x3e: {  	s14 =	sadd.s32 $0x1E0000, s8;
	s13 =	rddreg [dreg:$0xd];
	[sflag:s6] =	ssyncadd.s32 $0xFFFF0000  }
0x3f: {  	[hbm4b:s14+s4] =	stream.strided.scatter [tilespmem:s13], [sflag:$0x1], $0x10000, s5, s4, $0x38;
	[tilespmem:$0x17800] =	vst v63  }
0x40: {  	_ =	swait.ge [sflag:s6], $0x10000  }
0x41: {  	[sflag:s6] =	ssyncset.done $0x0  }
0x42: {  	s16 =	sadd.s32 $0x240000, s8;
	s15 =	rddreg [dreg:$0xe];
	[sflag:s6] =	ssyncadd.s32 $0xFFFF0000  }
0x43: {  	[hbm4b:s16+s4] =	stream.strided.scatter [tilespmem:s15], [sflag:$0x1], $0x10000, s5, s4, $0x38;
	[tilespmem:$0x17800] =	vst v63  }
0x44: {  	_ =	swait.ge [sflag:s6], $0x10000  }
0x45: {  	[sflag:s6] =	ssyncset.done $0x0  }
0x46: {  	s18 =	sadd.s32 $0x2A0000, s8;
	s17 =	rddreg [dreg:$0xf];
	[sflag:s6] =	ssyncadd.s32 $0xFFFF0000  }
0x47: {  	[hbm4b:s18+s4] =	stream.strided.scatter [tilespmem:s17], [sflag:$0x1], $0x10000, s5, s4, $0x38;
	[tilespmem:$0x17800] =	vst v63  }
0x48: {  	_ =	swait.ge [sflag:s6], $0x10000  }
0x49: {  	[sflag:s6] =	ssyncset.done $0x0  }
0x4a: {  	s20 =	sadd.s32 $0x300000, s8;
	s19 =	rddreg [dreg:$0x10];
	[sflag:s6] =	ssyncadd.s32 $0xFFFF0000  }
0x4b: {  	[hbm4b:s20+s4] =	stream.strided.scatter [tilespmem:s19], [sflag:$0x1], $0x10000, s5, s4, $0x38;
	[tilespmem:$0x17800] =	vst v63  }
0x4c: {  	_ =	swait.ge [sflag:s6], $0x10000  }
0x4d: {  	[sflag:s6] =	ssyncset.done $0x0  }
0x4e: {  	s22 =	sadd.s32 $0x360000, s8;
	s21 =	rddreg [dreg:$0x11];
	[sflag:s6] =	ssyncadd.s32 $0xFFFF0000  }
0x4f: {  	[hbm4b:s22+s4] =	stream.strided.scatter [tilespmem:s21], [sflag:$0x1], $0x10000, s5, s4, $0x38;
	[tilespmem:$0x17800] =	vst v63  }
0x50: {  	_ =	swait.ge [sflag:s6], $0x10000  }
0x51: {  	[sflag:s6] =	ssyncset.done $0x0  }
0x52: {  	s24 =	sadd.s32 $0x3C0000, s8;
	s23 =	rddreg [dreg:$0x12];
	[sflag:s6] =	ssyncadd.s32 $0xFFFF0000  }
0x53: {  	[hbm4b:s24+s4] =	stream.strided.scatter [tilespmem:s23], [sflag:$0x1], $0x10000, s5, s4, $0x38;
	[tilespmem:$0x17800] =	vst v63  }
0x54: {  	_ =	swait.ge [sflag:s6], $0x10000  }
0x55: {  	[sflag:s6] =	ssyncset.done $0x0  }
0x56: {  	s26 =	sadd.s32 $0x420000, s8;
	s25 =	rddreg [dreg:$0x13];
	[sflag:s6] =	ssyncadd.s32 $0xFFFF0000  }
0x57: {  	[hbm4b:s26+s4] =	stream.strided.scatter [tilespmem:s25], [sflag:$0x1], $0x10000, s5, s4, $0x38;
	[tilespmem:$0x17800] =	vst v63  }
0x58: {  	_ =	swait.ge [sflag:s6], $0x10000  }
0x59: {  	[sflag:s6] =	ssyncset.done $0x0  }
0x5a: {  	s28 =	sadd.s32 $0x480000, s8;
	[sflag:s6] =	ssyncadd.s32 $0xFFFF0000  }
0x5b: {  	[hbm4b:s28+s4] =	stream.strided.scatter [tilespmem:s5], [sflag:$0x1], $0x10000, s5, s4, $0x38;
	[tilespmem:$0x17800] =	vst v63  }
0x5c: {  	_ =	swait.ge [sflag:s6], $0x10000  }
0x5d: {  	[sflag:s6] =	ssyncset.done $0x0  }
0x5e: {  	s30 =	sadd.s32 $0x4E0000, s8;
	s29 =	rddreg [dreg:$0x14];
	[sflag:s6] =	ssyncadd.s32 $0xFFFF0000  }
0x5f: {  	[hbm4b:s30+s4] =	stream.strided.scatter [tilespmem:s29], [sflag:$0x1], $0x10000, s5, s4, $0x38;
	[tilespmem:$0x17800] =	vst v63  }
0x60: {  	_ =	swait.ge [sflag:s6], $0x10000  }
0x61: {  	[sflag:s6] =	ssyncset.done $0x0  }
0x62: {  	s31 =	sadd.s32 $0x540000, s8;
	[sflag:s6] =	ssyncadd.s32 $0xFFFF0000  }
0x63: {  	[hbm4b:s31+s4] =	stream.strided.scatter [tilespmem:s4], [sflag:$0x1], $0x10000, s5, s4, $0x38;
	[tilespmem:$0x17800] =	vst v63  }
0x64: {  	_ =	swait.ge [sflag:s6], $0x10000  }
0x65: {  	[sflag:s6] =	ssyncset.done $0x0  }
0x66: {  	s8 =	sadd.s32 $0x5A0000, s8;
	[sflag:s6] =	ssyncadd.s32 $0xFFFF0000  }
0x67: {  	[hbm4b:s8+s4] =	stream.strided.scatter [tilespmem:s2], [sflag:$0x1], $0x10000, s5, s4, $0x38;
	[tilespmem:$0x17800] =	vst v63  }
0x68: {  	s9 =	simm.s32 $0x0;
	s10 =	simm.s32 $0x2;
	_ =	swait.ge [sflag:s6], $0x10000  }
0x69: {  	s8 =	simm.s32 $0x1;
	s11 =	rddreg [dreg:$0x7];
	[sflag:s6] =	ssyncset.done $0x0  }
.LBB2_2:
0x6a: {  	p1 =	sgt.u32 s8, $0x2  }
0x6b: {  	s12 =	rddreg [dreg:$0x5];
	s11 =	simm.s32 @!p1 $0x0  }
0x6c: {  	s12 =	sadd.s32 s11, s12  }
0x6d: {  	s9 =	sadd.s32 $0x800, s9;
	s12 =	sshrl.u32 s12, $0x3  }
0x6e: {  	p1 =	slt.u32 s8, $0x3;
	s14 =	sadd.s32 $0xFFFFE800, s9;
	s12 =	smul.u32 $0x1800, s12  }
0x6f: {  	s14 =	smov.u32 @p1 s9  }
0x70: {  	s12 =	sadd.s32 s14, s12  }
0x71: {  	s15 =	rddreg [dreg:$0x3];
	s12 =	sshrl.u32 s12, $0x3  }
0x72: {  	[sflag:s6] =	ssyncadd.s32 $0xFFFF0000;
	s12 =	sadd.s32 s15, s12  }
0x73: {  	[tilespmem:s2], [sflag:$0x1] =	stream.strided.gather [hbm4b:s12+s4], $0x17800, s5, s4, $0x38;
	[tilespmem:$0x17800] =	vst v63  }
0x74: {  	_ =	swait.ge [sflag:s6], $0x17800  }
0x75: {  	s20 =	rddreg [dreg:$0x6]  }
0x76: {  	s11 =	sor.u32 s20, s11  }
0x77: {  	s11 =	sshrl.u32 s11, $0x3  }
0x78: {  	s11 =	smul.u32 $0x1800, s11;
	_ =	sdelay $0x1  }
0x79: {  	s11 =	sadd.s32 s14, s11  }
0x7a: {  	s21 =	rddreg [dreg:$0x4];
	[sflag:s6] =	ssyncset.done $0x0;
	s11 =	sshrl.u32 s11, $0x3  }
0x7b: {  	s22 =	rddreg [dreg:$0x8];
	[sflag:s6] =	ssyncadd.s32 $0xFFFE8800;
	s11 =	sadd.s32 s21, s11  }
0x7c: {  	[hbm4b:s11+s4] =	stream.strided.scatter [tilespmem:s22], [sflag:$0x1], $0x10000, s5, s4, $0x38;
	[tilespmem:$0x17800] =	vst v63  }
0x7d: {  	_ =	swait.ge [sflag:s6], $0x10000  }
0x7e: {  	[sflag:s6] =	ssyncset.done $0x0  }
0x7f: {  	s24 =	sadd.s32 $0x60000, s11;
	s23 =	rddreg [dreg:$0x9];
	[sflag:s6] =	ssyncadd.s32 $0xFFFF0000  }
0x80: {  	[hbm4b:s24+s4] =	stream.strided.scatter [tilespmem:s23], [sflag:$0x1], $0x10000, s5, s4, $0x38;
	[tilespmem:$0x17800] =	vst v63  }
0x81: {  	_ =	swait.ge [sflag:s6], $0x10000  }
0x82: {  	[sflag:s6] =	ssyncset.done $0x0  }
0x83: {  	s26 =	sadd.s32 $0xC0000, s11;
	s25 =	rddreg [dreg:$0xa];
	[sflag:s6] =	ssyncadd.s32 $0xFFFF0000  }
0x84: {  	[hbm4b:s26+s4] =	stream.strided.scatter [tilespmem:s25], [sflag:$0x1], $0x10000, s5, s4, $0x38;
	[tilespmem:$0x17800] =	vst v63  }
0x85: {  	_ =	swait.ge [sflag:s6], $0x10000  }
0x86: {  	[sflag:s6] =	ssyncset.done $0x0  }
0x87: {  	s29 =	sadd.s32 $0x120000, s11;
	s28 =	rddreg [dreg:$0xb];
	[sflag:s6] =	ssyncadd.s32 $0xFFFF0000  }
0x88: {  	[hbm4b:s29+s4] =	stream.strided.scatter [tilespmem:s28], [sflag:$0x1], $0x10000, s5, s4, $0x38;
	[tilespmem:$0x17800] =	vst v63  }
0x89: {  	_ =	swait.ge [sflag:s6], $0x10000  }
0x8a: {  	[sflag:s6] =	ssyncset.done $0x0  }
0x8b: {  	s31 =	sadd.s32 $0x180000, s11;
	s30 =	rddreg [dreg:$0xc];
	[sflag:s6] =	ssyncadd.s32 $0xFFFF0000  }
0x8c: {  	[hbm4b:s31+s4] =	stream.strided.scatter [tilespmem:s30], [sflag:$0x1], $0x10000, s5, s4, $0x38;
	[tilespmem:$0x17800] =	vst v63  }
0x8d: {  	s13 =	smov.u32 s10;
	_ =	swait.ge [sflag:s6], $0x10000  }
0x8e: {  	s8 =	smov.u32 s13;
	[sflag:s6] =	ssyncset.done $0x0  }
0x8f: {  	s14 =	sadd.s32 $0x1E0000, s11;
	s13 =	rddreg [dreg:$0xd];
	[sflag:s6] =	ssyncadd.s32 $0xFFFF0000  }
0x90: {  	[hbm4b:s14+s4] =	stream.strided.scatter [tilespmem:s13], [sflag:$0x1], $0x10000, s5, s4, $0x38;
	[tilespmem:$0x17800] =	vst v63  }
0x91: {  	_ =	swait.ge [sflag:s6], $0x10000  }
0x92: {  	[sflag:s6] =	ssyncset.done $0x0  }
0x93: {  	s16 =	sadd.s32 $0x240000, s11;
	s15 =	rddreg [dreg:$0xe];
	[sflag:s6] =	ssyncadd.s32 $0xFFFF0000  }
0x94: {  	[hbm4b:s16+s4] =	stream.strided.scatter [tilespmem:s15], [sflag:$0x1], $0x10000, s5, s4, $0x38;
	[tilespmem:$0x17800] =	vst v63  }
0x95: {  	_ =	swait.ge [sflag:s6], $0x10000  }
0x96: {  	[sflag:s6] =	ssyncset.done $0x0  }
0x97: {  	s18 =	sadd.s32 $0x2A0000, s11;
	s17 =	rddreg [dreg:$0xf];
	[sflag:s6] =	ssyncadd.s32 $0xFFFF0000  }
0x98: {  	[hbm4b:s18+s4] =	stream.strided.scatter [tilespmem:s17], [sflag:$0x1], $0x10000, s5, s4, $0x38;
	[tilespmem:$0x17800] =	vst v63  }
0x99: {  	_ =	swait.ge [sflag:s6], $0x10000  }
0x9a: {  	[sflag:s6] =	ssyncset.done $0x0  }
0x9b: {  	s20 =	sadd.s32 $0x300000, s11;
	s19 =	rddreg [dreg:$0x10];
	[sflag:s6] =	ssyncadd.s32 $0xFFFF0000  }
0x9c: {  	[hbm4b:s20+s4] =	stream.strided.scatter [tilespmem:s19], [sflag:$0x1], $0x10000, s5, s4, $0x38;
	[tilespmem:$0x17800] =	vst v63  }
0x9d: {  	_ =	swait.ge [sflag:s6], $0x10000  }
0x9e: {  	[sflag:s6] =	ssyncset.done $0x0  }
0x9f: {  	s22 =	sadd.s32 $0x360000, s11;
	s21 =	rddreg [dreg:$0x11];
	[sflag:s6] =	ssyncadd.s32 $0xFFFF0000  }
0xa0: {  	[hbm4b:s22+s4] =	stream.strided.scatter [tilespmem:s21], [sflag:$0x1], $0x10000, s5, s4, $0x38;
	[tilespmem:$0x17800] =	vst v63  }
0xa1: {  	_ =	swait.ge [sflag:s6], $0x10000  }
0xa2: {  	[sflag:s6] =	ssyncset.done $0x0  }
0xa3: {  	s24 =	sadd.s32 $0x3C0000, s11;
	s23 =	rddreg [dreg:$0x12];
	[sflag:s6] =	ssyncadd.s32 $0xFFFF0000  }
0xa4: {  	[hbm4b:s24+s4] =	stream.strided.scatter [tilespmem:s23], [sflag:$0x1], $0x10000, s5, s4, $0x38;
	[tilespmem:$0x17800] =	vst v63  }
0xa5: {  	_ =	swait.ge [sflag:s6], $0x10000  }
0xa6: {  	[sflag:s6] =	ssyncset.done $0x0  }
0xa7: {  	s26 =	sadd.s32 $0x420000, s11;
	s25 =	rddreg [dreg:$0x13];
	[sflag:s6] =	ssyncadd.s32 $0xFFFF0000  }
0xa8: {  	[hbm4b:s26+s4] =	stream.strided.scatter [tilespmem:s25], [sflag:$0x1], $0x10000, s5, s4, $0x38;
	[tilespmem:$0x17800] =	vst v63  }
0xa9: {  	_ =	swait.ge [sflag:s6], $0x10000  }
0xaa: {  	[sflag:s6] =	ssyncset.done $0x0  }
0xab: {  	s28 =	sadd.s32 $0x480000, s11;
	[sflag:s6] =	ssyncadd.s32 $0xFFFF0000  }
0xac: {  	[hbm4b:s28+s4] =	stream.strided.scatter [tilespmem:s5], [sflag:$0x1], $0x10000, s5, s4, $0x38;
	[tilespmem:$0x17800] =	vst v63  }
0xad: {  	_ =	swait.ge [sflag:s6], $0x10000  }
0xae: {  	[sflag:s6] =	ssyncset.done $0x0  }
0xaf: {  	s30 =	sadd.s32 $0x4E0000, s11;
	s29 =	rddreg [dreg:$0x14];
	[sflag:s6] =	ssyncadd.s32 $0xFFFF0000  }
0xb0: {  	[hbm4b:s30+s4] =	stream.strided.scatter [tilespmem:s29], [sflag:$0x1], $0x10000, s5, s4, $0x38;
	[tilespmem:$0x17800] =	vst v63  }
0xb1: {  	_ =	swait.ge [sflag:s6], $0x10000  }
0xb2: {  	[sflag:s6] =	ssyncset.done $0x0  }
0xb3: {  	s31 =	sadd.s32 $0x540000, s11;
	[sflag:s6] =	ssyncadd.s32 $0xFFFF0000  }
0xb4: {  	[hbm4b:s31+s4] =	stream.strided.scatter [tilespmem:s4], [sflag:$0x1], $0x10000, s5, s4, $0x38;
	[tilespmem:$0x17800] =	vst v63  }
0xb5: {  	p0 =	sne.s32 s10, $0x5;
	_ =	swait.ge [sflag:s6], $0x10000  }
.Ltmp0:
0xb6: {  	[sflag:s6] =	ssyncset.done $0x0;
	(pc) =	sbr.rel @p0 .LBB2_2-.Ltmp0, $4  }
0xb7: {  	s11 =	sadd.s32 $0x5A0000, s11;
	[sflag:s6] =	ssyncadd.s32 $0xFFFF0000  }
0xb8: {  	[hbm4b:s11+s4] =	stream.strided.scatter [tilespmem:s2], [sflag:$0x1], $0x10000, s5, s4, $0x38;
	[tilespmem:$0x17800] =	vst v63  }
0xb9: {  	_ =	swait.ge [sflag:s6], $0x10000  }
0xba: {  	s10 =	sadd.s32 $0x1, s10;
	s11 =	rddreg [dreg:$0x7];
	[sflag:s6] =	ssyncset.done $0x0  }
0xbb: {  	p0 =	sgt.u32 s8, $0x2  }
0xbc: {  	s10 =	rddreg [dreg:$0x5];
	s11 =	simm.s32 @!p0 $0x0  }
0xbd: {  	s10 =	sadd.s32 s11, s10  }
0xbe: {  	s9 =	sadd.s32 $0x800, s9;
	s10 =	sshrl.u32 s10, $0x3  }
0xbf: {  	p0 =	slt.u32 s8, $0x3;
	s8 =	sadd.s32 $0xFFFFE800, s9;
	s10 =	smul.u32 $0x1800, s10  }
0xc0: {  	s8 =	smov.u32 @p0 s9  }
0xc1: {  	s10 =	sadd.s32 s8, s10  }
0xc2: {  	s22 =	rddreg [dreg:$0x3];
	s10 =	sshrl.u32 s10, $0x3  }
0xc3: {  	[sflag:s6] =	ssyncadd.s32 $0xFFFF0000;
	s9 =	sadd.s32 s22, s10  }
0xc4: {  	[tilespmem:s2], [sflag:$0x1] =	stream.strided.gather [hbm4b:s9+s4], $0x17800, s5, s4, $0x38;
	[tilespmem:$0x17800] =	vst v63  }
0xc5: {  	_ =	swait.ge [sflag:s6], $0x17800  }
0xc6: {  	s23 =	rddreg [dreg:$0x6]  }
0xc7: {  	s9 =	sor.u32 s23, s11  }
0xc8: {  	s9 =	sshrl.u32 s9, $0x3  }
0xc9: {  	s9 =	smul.u32 $0x1800, s9;
	_ =	sdelay $0x1  }
0xca: {  	s8 =	sadd.s32 s8, s9  }
0xcb: {  	s24 =	rddreg [dreg:$0x4];
	[sflag:s6] =	ssyncset.done $0x0;
	s8 =	sshrl.u32 s8, $0x3  }
0xcc: {  	s25 =	rddreg [dreg:$0x8];
	[sflag:s6] =	ssyncadd.s32 $0xFFFE8800;
	s8 =	sadd.s32 s24, s8  }
0xcd: {  	[hbm4b:s8+s4] =	stream.strided.scatter [tilespmem:s25], [sflag:$0x1], $0x10000, s5, s4, $0x38;
	[tilespmem:$0x17800] =	vst v63  }
0xce: {  	_ =	swait.ge [sflag:s6], $0x10000  }
0xcf: {  	[sflag:s6] =	ssyncset.done $0x0  }
0xd0: {  	s10 =	sadd.s32 $0x60000, s8;
	s26 =	rddreg [dreg:$0x9];
	[sflag:s6] =	ssyncadd.s32 $0xFFFF0000  }
0xd1: {  	[hbm4b:s10+s4] =	stream.strided.scatter [tilespmem:s26], [sflag:$0x1], $0x10000, s5, s4, $0x38;
	[tilespmem:$0x17800] =	vst v63  }
0xd2: {  	_ =	swait.ge [sflag:s6], $0x10000  }
0xd3: {  	[sflag:s6] =	ssyncset.done $0x0  }
0xd4: {  	s29 =	sadd.s32 $0xC0000, s8;
	s28 =	rddreg [dreg:$0xa];
	[sflag:s6] =	ssyncadd.s32 $0xFFFF0000  }
0xd5: {  	[hbm4b:s29+s4] =	stream.strided.scatter [tilespmem:s28], [sflag:$0x1], $0x10000, s5, s4, $0x38;
	[tilespmem:$0x17800] =	vst v63  }
0xd6: {  	_ =	swait.ge [sflag:s6], $0x10000  }
0xd7: {  	[sflag:s6] =	ssyncset.done $0x0  }
0xd8: {  	s31 =	sadd.s32 $0x120000, s8;
	s30 =	rddreg [dreg:$0xb];
	[sflag:s6] =	ssyncadd.s32 $0xFFFF0000  }
0xd9: {  	[hbm4b:s31+s4] =	stream.strided.scatter [tilespmem:s30], [sflag:$0x1], $0x10000, s5, s4, $0x38;
	[tilespmem:$0x17800] =	vst v63  }
0xda: {  	_ =	swait.ge [sflag:s6], $0x10000  }
0xdb: {  	[sflag:s6] =	ssyncset.done $0x0  }
0xdc: {  	s12 =	sadd.s32 $0x180000, s8;
	s11 =	rddreg [dreg:$0xc];
	[sflag:s6] =	ssyncadd.s32 $0xFFFF0000  }
0xdd: {  	[hbm4b:s12+s4] =	stream.strided.scatter [tilespmem:s11], [sflag:$0x1], $0x10000, s5, s4, $0x38;
	[tilespmem:$0x17800] =	vst v63  }
0xde: {  	_ =	swait.ge [sflag:s6], $0x10000  }
0xdf: {  	[sflag:s6] =	ssyncset.done $0x0  }
0xe0: {  	s14 =	sadd.s32 $0x1E0000, s8;
	s13 =	rddreg [dreg:$0xd];
	[sflag:s6] =	ssyncadd.s32 $0xFFFF0000  }
0xe1: {  	[hbm4b:s14+s4] =	stream.strided.scatter [tilespmem:s13], [sflag:$0x1], $0x10000, s5, s4, $0x38;
	[tilespmem:$0x17800] =	vst v63  }
0xe2: {  	_ =	swait.ge [sflag:s6], $0x10000  }
0xe3: {  	[sflag:s6] =	ssyncset.done $0x0  }
0xe4: {  	s16 =	sadd.s32 $0x240000, s8;
	s15 =	rddreg [dreg:$0xe];
	[sflag:s6] =	ssyncadd.s32 $0xFFFF0000  }
0xe5: {  	[hbm4b:s16+s4] =	stream.strided.scatter [tilespmem:s15], [sflag:$0x1], $0x10000, s5, s4, $0x38;
	[tilespmem:$0x17800] =	vst v63  }
0xe6: {  	_ =	swait.ge [sflag:s6], $0x10000  }
0xe7: {  	[sflag:s6] =	ssyncset.done $0x0  }
0xe8: {  	s18 =	sadd.s32 $0x2A0000, s8;
	s17 =	rddreg [dreg:$0xf];
	[sflag:s6] =	ssyncadd.s32 $0xFFFF0000  }
0xe9: {  	[hbm4b:s18+s4] =	stream.strided.scatter [tilespmem:s17], [sflag:$0x1], $0x10000, s5, s4, $0x38;
	[tilespmem:$0x17800] =	vst v63  }
0xea: {  	_ =	swait.ge [sflag:s6], $0x10000  }
0xeb: {  	[sflag:s6] =	ssyncset.done $0x0  }
0xec: {  	s20 =	sadd.s32 $0x300000, s8;
	s19 =	rddreg [dreg:$0x10];
	[sflag:s6] =	ssyncadd.s32 $0xFFFF0000  }
0xed: {  	[hbm4b:s20+s4] =	stream.strided.scatter [tilespmem:s19], [sflag:$0x1], $0x10000, s5, s4, $0x38;
	[tilespmem:$0x17800] =	vst v63  }
0xee: {  	_ =	swait.ge [sflag:s6], $0x10000  }
0xef: {  	[sflag:s6] =	ssyncset.done $0x0  }
0xf0: {  	s22 =	sadd.s32 $0x360000, s8;
	s21 =	rddreg [dreg:$0x11];
	[sflag:s6] =	ssyncadd.s32 $0xFFFF0000  }
0xf1: {  	[hbm4b:s22+s4] =	stream.strided.scatter [tilespmem:s21], [sflag:$0x1], $0x10000, s5, s4, $0x38;
	[tilespmem:$0x17800] =	vst v63  }
0xf2: {  	_ =	swait.ge [sflag:s6], $0x10000  }
0xf3: {  	[sflag:s6] =	ssyncset.done $0x0  }
0xf4: {  	s24 =	sadd.s32 $0x3C0000, s8;
	s23 =	rddreg [dreg:$0x12];
	[sflag:s6] =	ssyncadd.s32 $0xFFFF0000  }
0xf5: {  	[hbm4b:s24+s4] =	stream.strided.scatter [tilespmem:s23], [sflag:$0x1], $0x10000, s5, s4, $0x38;
	[tilespmem:$0x17800] =	vst v63  }
0xf6: {  	_ =	swait.ge [sflag:s6], $0x10000  }
0xf7: {  	[sflag:s6] =	ssyncset.done $0x0  }
0xf8: {  	s26 =	sadd.s32 $0x420000, s8;
	s25 =	rddreg [dreg:$0x13];
	[sflag:s6] =	ssyncadd.s32 $0xFFFF0000  }
0xf9: {  	[hbm4b:s26+s4] =	stream.strided.scatter [tilespmem:s25], [sflag:$0x1], $0x10000, s5, s4, $0x38;
	[tilespmem:$0x17800] =	vst v63  }
0xfa: {  	_ =	swait.ge [sflag:s6], $0x10000  }
0xfb: {  	[sflag:s6] =	ssyncset.done $0x0  }
0xfc: {  	s28 =	sadd.s32 $0x480000, s8;
	[sflag:s6] =	ssyncadd.s32 $0xFFFF0000  }
0xfd: {  	[hbm4b:s28+s4] =	stream.strided.scatter [tilespmem:s5], [sflag:$0x1], $0x10000, s5, s4, $0x38;
	[tilespmem:$0x17800] =	vst v63  }
0xfe: {  	_ =	swait.ge [sflag:s6], $0x10000  }
0xff: {  	[sflag:s6] =	ssyncset.done $0x0  }
0x100: {  	s30 =	sadd.s32 $0x4E0000, s8;
	s29 =	rddreg [dreg:$0x14];
	[sflag:s6] =	ssyncadd.s32 $0xFFFF0000  }
0x101: {  	[hbm4b:s30+s4] =	stream.strided.scatter [tilespmem:s29], [sflag:$0x1], $0x10000, s5, s4, $0x38;
	[tilespmem:$0x17800] =	vst v63  }
0x102: {  	_ =	swait.ge [sflag:s6], $0x10000  }
0x103: {  	[sflag:s6] =	ssyncset.done $0x0  }
0x104: {  	s31 =	sadd.s32 $0x540000, s8;
	[sflag:s6] =	ssyncadd.s32 $0xFFFF0000  }
0x105: {  	[hbm4b:s31+s4] =	stream.strided.scatter [tilespmem:s4], [sflag:$0x1], $0x10000, s5, s4, $0x38;
	[tilespmem:$0x17800] =	vst v63  }
0x106: {  	s7 =	sadd.s32 $0x1, s7;
	_ =	swait.ge [sflag:s6], $0x10000  }
0x107: {  	p0 =	sne.s32 s7, s3;
	[sflag:s6] =	ssyncset.done $0x0  }
.Ltmp1:
0x108: {  	s8 =	sadd.s32 $0x5A0000, s8;
	[sflag:s6] =	ssyncadd.s32 $0xFFFF0000;
	(pc) =	sbr.rel @p0 .LBB2_1-.Ltmp1, $4  }
0x109: {  	[hbm4b:s8+s4] =	stream.strided.scatter [tilespmem:s2], [sflag:$0x1], $0x10000, s5, s4, $0x38;
	[tilespmem:$0x17800] =	vst v63  }
0x10a: {  	_ =	swait.ge [sflag:s6], $0x10000  }
0x10b: {  	[sflag:s6] =	ssyncset.done $0x0  }
0x10c: {  	[sflag:s6] =	ssyncadd.s32 $0xFFFF0000  }
0x10d: {  	_ =	sfence.sel $0x180000  }
0x10e: {  	[bflag:$0x0] =	sbarrier.arrive $0xFFFF  }
0x10f: {  	p0 =	sne.s32 s0, $0x0;
	_ =	strace $0x90000047  }
0x110: {  	s0 =	sadd.s32 @!p0 $0x100000, s1;
	[bflag:$0x2] =	sbarrier.arrive $0xFFFF  }
0x111: {  	[sflag:s0] =	ssyncadd.tile.s32 @!p0 $0x1;
	_ =	shalt  }
.Lfunc_end2:
_tile_overlayer_lowered:
.L_overlay_start_2:
0x112: {  	(tag) =	ssettag $0x2  }
0x113: {  	s0 =	rddreg [dreg:$0x0];
	s2 =	stileid.u32  }
0x114: {  	s1 =	rddreg [dreg:$0x1];
	p0 =	sne.s32 s2, $0x0  }
0x115: {  	s3 =	rddreg [dreg:$0x2];
	[bflag:$0x3] =	sbarrier.arrive $0xFFFF;
	s2 =	simm.s32 @!p0 $0x1C01  }
0x116: {  	[timem:s3], [sflag:s2] =	dma.local @!p0 [hbm:s0], s1  }
0x117: {  	s0 =	simm.s32 @!p0 $0x1  }
0x118: {  	_ =	swait.ge @!p0 [sflag:s0], s1  }
0x119: {  	s1 =	ssub.s32 @!p0 $0x0, s1;
	[sflag:s0] =	ssyncset.done @!p0 $0x0  }
0x11a: {  	[sflag:s0] =	ssyncadd.s32 @!p0 s1  }
0x11b: {  	[bflag:$0x3] =	sbarrier.arrive $0xFFFF  }
0x11c: {  	_ =	shalt  }

</sc_bundles>
